<compile_context>
chip_gen: v7x
topology: tpu7x:2x2x1
jax: 0.10.2.dev20260603
libtpu: 0.0.44.dev20260713+nightly
codegen_flags: <defaults>
</compile_context>

<pallas_src>
import functools

import jax
import jax.numpy as jnp
from jax import lax
from jax.experimental import pallas as pl
from jax.experimental.pallas import tpu as pltpu
from jax.experimental.pallas import tpu_sc as plsc

B, T, H, W_, C = 4, 512, 64, 64, 3
BT = B * T
BINS = 512
LOOKUP = 101
OUT = 128
PAD = (LOOKUP - 1) // 2
PW = 640

NW = 32
TW = 1024
NTILES = B * H * C * 8 * 4
FPU = 128
HH = H // 2
HWORDS = BINS * FPU


def _make_hist_kernel():
    mesh = plsc.VectorSubcoreMesh(
        core_axis_name="c", subcore_axis_name="s", num_cores=2)

    @functools.partial(
        pl.kernel,
        out_type=jax.ShapeDtypeStruct((NW * HWORDS,), jnp.int32),
        mesh=mesh,
        scratch_types=[
            pltpu.VMEM((3, C * 4, TW), jnp.int32),
            pltpu.VMEM((HWORDS,), jnp.int32),
            [pltpu.SemaphoreType.DMA for _ in range(3)],
        ],
        compiler_params=pltpu.CompilerParams(needs_layout_passes=False),
    )
    def hist_kernel(tiles_hbm, out_hbm, bufs, hist, sems):
        wid = lax.axis_index("s") * 2 + lax.axis_index("c")
        b = wid >> 3
        tt = (wid >> 1) & 3
        half = wid & 1
        h0 = half * HH
        lane = lax.iota(jnp.int32, 16) * BINS
        ones = jnp.ones((16,), jnp.int32)
        zeros = jnp.zeros((16,), jnp.int32)

        def issue(u, p, sem):
            t_base = ((b * H + h0 + (u >> 1)) * C) * 32 + tt + (u & 1) * 16

            def j_body(j, carry):
                off = (t_base + (j >> 2) * 32 + (j & 3) * 4) * TW
                pltpu.async_copy(
                    tiles_hbm.at[pl.ds(off, TW)], bufs.at[p, j], sem)
                return carry

            lax.fori_loop(0, C * 4, j_body, 0)

        def drain(p, sem):
            def j_body(j, carry):
                pltpu.make_async_copy(
                    tiles_hbm.at[pl.ds(0, TW)], bufs.at[p, j], sem).wait()
                return carry

            lax.fori_loop(0, C * 4, j_body, 0)

        @plsc.parallel_loop(0, HWORDS // 16, unroll=8)
        def _(i):
            hist[pl.ds(i * 16, 16)] = zeros

        issue(0, 0, sems[0])
        issue(1, 1, sems[1])
        issue(2, 2, sems[2])

        def compute(p):
            @plsc.parallel_loop(0, 256, unroll=8)
            def _(i):
                band = i >> 6
                sl = pl.ds((i & 63) * 16, 16)
                r = bufs[p, band, sl]
                g = bufs[p, band + 4, sl]
                bl = bufs[p, band + 8, sl]
                idx = (((r & 0xE0) << 1) + ((g & 0xE0) >> 2)
                       + (bl >> 5) + (lane + (i & 7) * 16 * BINS))
                plsc.addupdate_scatter(hist, [idx], ones)

        NU = HH * 2

        def u_body(u, s):
            for p in range(3):
                @pl.when(s == p)
                def _():
                    drain(p, sems[p])
                    compute(p)

                    @pl.when(u + 3 < NU)
                    def _():
                        issue(u + 3, p, sems[p])

            return jnp.where(s == 2, 0, s + 1)

        lax.fori_loop(0, NU, u_body, jnp.int32(0))
        pltpu.sync_copy(hist, out_hbm.at[pl.ds(wid * HWORDS, HWORDS)])

    return hist_kernel


def _phase2_kernel(x_ref, w_ref, b_ref, o_ref, p_ref):
    xs = x_ref[0, :, 0] + x_ref[0, :, 1]
    x = jnp.concatenate([xs[0], xs[1], xs[2], xs[3]],
                        axis=0).astype(jnp.float32)
    ss = jnp.sum(x * x, axis=1, keepdims=True)
    xn = x / jnp.maximum(jnp.sqrt(ss), 1e-12)
    sim = lax.dot_general(xn, xn, (((1,), (1,)), ((), ())),
                          preferred_element_type=jnp.float32)
    p_ref[:, :] = jnp.zeros((T, PW), jnp.float32)
    p_ref[:, PAD:PAD + T] = sim

    wmat = w_ref[...]
    bvec = b_ref[...]
    for blk in range(T // 128):
        t0 = blk * 128
        slab = p_ref[t0:t0 + 128, t0:t0 + 256]
        rows = lax.broadcasted_iota(jnp.int32, (128, 256), 0)
        for k in (1, 2, 4, 8, 16, 32, 64):
            rolled = jnp.concatenate([slab[:, k:], slab[:, :k]], axis=1)
            slab = jnp.where((rows & k) != 0, rolled, slab)
        band = slab[:, :LOOKUP]
        res = lax.dot_general(band, wmat, (((1,), (1,)), ((), ())),
                              preferred_element_type=jnp.float32)
        o_ref[0, t0:t0 + 128, :] = jnp.maximum(res + bvec, 0.0)


def _phase2(parts, wmat, bvec):
    x5 = parts.reshape(B, 4, 2, FPU, BINS)
    return pl.pallas_call(
        _phase2_kernel,
        out_shape=jax.ShapeDtypeStruct((B, T, OUT), jnp.float32),
        grid=(B,),
        in_specs=[
            pl.BlockSpec((1, 4, 2, FPU, BINS), lambda i: (i, 0, 0, 0, 0)),
            pl.BlockSpec((OUT, LOOKUP), lambda i: (0, 0)),
            pl.BlockSpec((1, OUT), lambda i: (0, 0)),
        ],
        out_specs=pl.BlockSpec((1, T, OUT), lambda i: (i, 0, 0)),
        scratch_shapes=[pltpu.VMEM((T, PW), jnp.float32)],
    )(x5, wmat, bvec.reshape(1, OUT))


@jax.jit
def kernel(inputs, W, b):
    x5 = inputs.transpose(0, 2, 4, 3, 1)
    x7 = x5.reshape(B, H, C, 8, 8, 4, 128)
    tiles = x7.transpose(0, 1, 2, 3, 5, 4, 6).reshape(NTILES * TW)
    parts = _make_hist_kernel()(tiles)
    return _phase2(parts, W, b)

# --- scband reference (transcript-rebuilt; emitter-appended) ---
"""Pipeline reference for scband-color-histograms-21998822490745 (READ-ONLY COPY).

The authoritative reference and input builder live on the scoring server;
editing this copy changes nothing except your own understanding.
"""

import jax, jax.numpy as jnp
import numpy as np

B, T, H, W_, C = 4, 512, 64, 64, 3
LOOKUP = 101
OUT = 128


def setup_inputs(seed: int = 0) -> dict:
    key = jax.random.key(seed)
    k1, k2, k3 = jax.random.split(key, 3)
    inputs = jax.random.randint(k1, (B, T, H, W_, C), 0, 256, dtype=jnp.int32)
    W = jax.random.normal(k2, (OUT, LOOKUP), dtype=jnp.float32) * 0.1
    b = jax.random.normal(k3, (OUT,), dtype=jnp.float32) * 0.01
    return {"inputs": inputs, "W": W, "b": b}


def _compute(frames):
    bt = B * T
    flat = frames.reshape(bt, H * W_, 3)
    binned = ((flat[:, :, 0] >> 5) << 6) + ((flat[:, :, 1] >> 5) << 3) + (flat[:, :, 2] >> 5)
    prefix = (jnp.arange(bt, dtype=jnp.int32) << 9).reshape(-1, 1)
    binned = (binned + prefix).reshape(-1)
    hist = jnp.zeros(bt * 512, dtype=jnp.int32).at[binned].add(
        jnp.ones(binned.shape[0], dtype=jnp.int32))
    x = hist.reshape(B, T, 512).astype(jnp.float32)
    norm = jnp.linalg.norm(x, ord=2, axis=2, keepdims=True)
    return x / jnp.maximum(norm, 1e-12)


def reference(inputs, W, b):
    x = _compute(inputs)
    sim = jnp.einsum('btd,bsd->bts', x, x)
    pad = (LOOKUP - 1) // 2
    sim = jnp.pad(sim, ((0, 0), (0, 0), (pad, pad)))
    bi = jnp.arange(B).reshape(B, 1, 1)
    ti = jnp.arange(T).reshape(1, T, 1)
    li = jnp.arange(LOOKUP).reshape(1, 1, LOOKUP) + ti
    simg = sim[bi, ti, li]
    return jax.nn.relu(simg @ W.T + b)

if __name__ == "__main__":
    import jax
    _d = setup_inputs()
    print(jax.jit(kernel)(*tuple(_d.values())))

</pallas_src>

<mosaic_0001>
#map = affine_map<(d0, d1) -> (0)>
module attributes {stable_mosaic.version = 14 : i64} {
  func.func @hist_kernel(%arg0: i32, %arg1: i32, %arg2: memref<25165824xi32, #tpu.memory_space<hbm>>, %arg3: memref<2097152xi32, #tpu.memory_space<hbm>>, %arg4: memref<3x12x1024xi32, #tpu.memory_space<vmem>>, %arg5: memref<65536xi32, #tpu.memory_space<vmem>>, %arg6: memref<!tpu.dma_semaphore, #tpu.memory_space<semaphore_mem>>, %arg7: memref<!tpu.dma_semaphore, #tpu.memory_space<semaphore_mem>>, %arg8: memref<!tpu.dma_semaphore, #tpu.memory_space<semaphore_mem>>) attributes {dimension_semantics = [#tpu.dimension_semantics<core_parallel>, #tpu.dimension_semantics<subcore_parallel>], iteration_bounds = array<i64: 2, 16>, scalar_prefetch = 0 : i64, scratch_operands = 5 : i64, tpu.core_type = #tpu.core_type<sc_vector_subcore>, window_params = [{transform_indices = #map}, {transform_indices = #map}]} {
    %mul3A = arith.constant 2 : i32
    %mul3A_0 = arith.muli %arg1, %mul3A : i32
    %add3A = arith.addi %mul3A_0, %arg0 : i32
    %shift_right_arithmetic3A = arith.constant 3 : i32
    %shift_right_arithmetic3A_1 = arith.shrsi %add3A, %shift_right_arithmetic3A : i32
    %shift_right_arithmetic3A_2 = arith.constant 1 : i32
    %shift_right_arithmetic3A_3 = arith.shrsi %add3A, %shift_right_arithmetic3A_2 : i32
    %and3A = arith.constant 3 : i32
    %and3A_4 = arith.andi %shift_right_arithmetic3A_3, %and3A : i32
    %and3A_5 = arith.constant 1 : i32
    %and3A_6 = arith.andi %add3A, %and3A_5 : i32
    %mul3A_7 = arith.constant 32 : i32
    %mul3A_8 = arith.muli %and3A_6, %mul3A_7 : i32
    %iota3A = tpu.iota {dimensions = array<i32: 0>} : vector<16xi32>
    %mul3A_9 = arith.constant 512 : i32
    %mul3A_10 = vector.broadcast %mul3A_9 : i32 to vector<16xi32>
    %mul3A_11 = arith.muli %iota3A, %mul3A_10 : vector<16xi32>
    %broadcast_in_dim3A = arith.constant 1 : i32
    %broadcast_in_dim3A_12 = vector.broadcast %broadcast_in_dim3A : i32 to vector<16xi32>
    %broadcast_in_dim3A_13 = arith.constant 0 : i32
    %broadcast_in_dim3A_14 = vector.broadcast %broadcast_in_dim3A_13 : i32 to vector<16xi32>
    %parallel_loop3A = arith.constant 0 : i32
    %parallel_loop3A_15 = arith.constant 4096 : i32
    %parallel_loop3A_16 = arith.constant 1 : i32
    scf.for %parallel_loop3A_79 = %parallel_loop3A to %parallel_loop3A_15 step %parallel_loop3A_16  : i32 {
      %parallel_loop3A_80 = arith.constant 16 : i32
      %parallel_loop3A_81 = arith.muli %parallel_loop3A_79, %parallel_loop3A_80 : i32
      %parallel_loop3A_82 = arith.index_cast %parallel_loop3A_81 : i32 to index
      %parallel_loop3A_83 = tpu.vector_load %arg5[%parallel_loop3A_82] {strides = array<i32>} : memref<65536xi32, #tpu.memory_space<vmem>>, vector<16xi32>,
      tpu.vector_store %arg5[%parallel_loop3A_82], %broadcast_in_dim3A_14 {strides = array<i32>} : memref<65536xi32, #tpu.memory_space<vmem>>, vector<16xi32>,
    } {sc.loop_unroll_factor = 8 : i64, sc.parallel_access}
    %mul3A_17 = arith.constant 64 : i32
    %mul3A_18 = arith.muli %shift_right_arithmetic3A_1, %mul3A_17 : i32
    %add3A_19 = arith.addi %mul3A_18, %mul3A_8 : i32
    %add3A_20 = arith.constant 0 : i32
    %add3A_21 = arith.addi %add3A_19, %add3A_20 : i32
    %mul3A_22 = arith.constant 3 : i32
    %mul3A_23 = arith.muli %add3A_21, %mul3A_22 : i32
    %mul3A_24 = arith.constant 32 : i32
    %mul3A_25 = arith.muli %mul3A_23, %mul3A_24 : i32
    %add3A_26 = arith.addi %mul3A_25, %and3A_4 : i32
    %add3A_27 = arith.constant 0 : i32
    %add3A_28 = arith.addi %add3A_26, %add3A_27 : i32
    %scan3A = arith.constant 0 : i32
    %scan3A_29 = arith.constant 0 : i32
    %scan3A_30 = arith.constant 12 : i32
    %scan3A_31 = arith.addi %scan3A_29, %scan3A_30 : i32
    %scan3A_32 = arith.constant 1 : i32
    scf.for %scan3A_79 = %scan3A_29 to %scan3A_31 step %scan3A_32  : i32 {
      %shift_right_arithmetic3A_80 = arith.constant 2 : i32
      %shift_right_arithmetic3A_81 = arith.shrsi %scan3A_79, %shift_right_arithmetic3A_80 : i32
      %mul3A_82 = arith.constant 32 : i32
      %mul3A_83 = arith.muli %shift_right_arithmetic3A_81, %mul3A_82 : i32
      %add3A_84 = arith.addi %add3A_28, %mul3A_83 : i32
      %and3A_85 = arith.constant 3 : i32
      %and3A_86 = arith.andi %scan3A_79, %and3A_85 : i32
      %mul3A_87 = arith.constant 4 : i32
      %mul3A_88 = arith.muli %and3A_86, %mul3A_87 : i32
      %add3A_89 = arith.addi %add3A_84, %mul3A_88 : i32
      %mul3A_90 = arith.constant 1024 : i32
      %mul3A_91 = arith.muli %add3A_89, %mul3A_90 : i32
      %dma_start3A = arith.constant 0 : i32
      %dma_start3A_92 = arith.constant 0 : i32
      %dma_start3A_93 = tpu.memref_slice %arg4[%dma_start3A, %scan3A_79, %dma_start3A_92] : memref<3x12x1024xi32, #tpu.memory_space<vmem>> -> memref<1x1x1024xi32, #tpu.memory_space<vmem>>
      %dma_start3A_94 = tpu.memref_squeeze %dma_start3A_93 : memref<1x1x1024xi32, #tpu.memory_space<vmem>> -> memref<1024xi32, #tpu.memory_space<vmem>>
      %dma_start3A_95 = tpu.memref_slice %arg2[%mul3A_91] : memref<25165824xi32, #tpu.memory_space<hbm>> -> memref<1024xi32, #tpu.memory_space<hbm>>
      %dma_start3A_96 = arith.constant 0 : i32
      %dma_start3A_97 = tpu.memref_slice %arg4[%dma_start3A, %scan3A_79, %dma_start3A_96] : memref<3x12x1024xi32, #tpu.memory_space<vmem>> -> memref<1x1x1024xi32, #tpu.memory_space<vmem>>
      %dma_start3A_98 = tpu.memref_squeeze %dma_start3A_97 : memref<1x1x1024xi32, #tpu.memory_space<vmem>> -> memref<1024xi32, #tpu.memory_space<vmem>>
      %dma_start3A_99 = tpu.memref_slice %arg2[%mul3A_91] : memref<25165824xi32, #tpu.memory_space<hbm>> -> memref<1024xi32, #tpu.memory_space<hbm>>
      tpu.enqueue_dma source(%dma_start3A_99 : memref<1024xi32, #tpu.memory_space<hbm>>) target(%dma_start3A_98 : memref<1024xi32, #tpu.memory_space<vmem>>) target_semaphore(%arg6 : memref<!tpu.dma_semaphore, #tpu.memory_space<semaphore_mem>>)
    }
    %scan3A_33 = arith.constant 12 : i32
    %mul3A_34 = arith.constant 64 : i32
    %mul3A_35 = arith.muli %shift_right_arithmetic3A_1, %mul3A_34 : i32
    %add3A_36 = arith.addi %mul3A_35, %mul3A_8 : i32
    %add3A_37 = arith.constant 0 : i32
    %add3A_38 = arith.addi %add3A_36, %add3A_37 : i32
    %mul3A_39 = arith.constant 3 : i32
    %mul3A_40 = arith.muli %add3A_38, %mul3A_39 : i32
    %mul3A_41 = arith.constant 32 : i32
    %mul3A_42 = arith.muli %mul3A_40, %mul3A_41 : i32
    %add3A_43 = arith.addi %mul3A_42, %and3A_4 : i32
    %add3A_44 = arith.constant 16 : i32
    %add3A_45 = arith.addi %add3A_43, %add3A_44 : i32
    %scan3A_46 = arith.constant 0 : i32
    %scan3A_47 = arith.constant 0 : i32
    %scan3A_48 = arith.constant 12 : i32
    %scan3A_49 = arith.addi %scan3A_47, %scan3A_48 : i32
    %scan3A_50 = arith.constant 1 : i32
    scf.for %scan3A_79 = %scan3A_47 to %scan3A_49 step %scan3A_50  : i32 {
      %shift_right_arithmetic3A_80 = arith.constant 2 : i32
      %shift_right_arithmetic3A_81 = arith.shrsi %scan3A_79, %shift_right_arithmetic3A_80 : i32
      %mul3A_82 = arith.constant 32 : i32
      %mul3A_83 = arith.muli %shift_right_arithmetic3A_81, %mul3A_82 : i32
      %add3A_84 = arith.addi %add3A_45, %mul3A_83 : i32
      %and3A_85 = arith.constant 3 : i32
      %and3A_86 = arith.andi %scan3A_79, %and3A_85 : i32
      %mul3A_87 = arith.constant 4 : i32
      %mul3A_88 = arith.muli %and3A_86, %mul3A_87 : i32
      %add3A_89 = arith.addi %add3A_84, %mul3A_88 : i32
      %mul3A_90 = arith.constant 1024 : i32
      %mul3A_91 = arith.muli %add3A_89, %mul3A_90 : i32
      %dma_start3A = arith.constant 1 : i32
      %dma_start3A_92 = arith.constant 0 : i32
      %dma_start3A_93 = tpu.memref_slice %arg4[%dma_start3A, %scan3A_79, %dma_start3A_92] : memref<3x12x1024xi32, #tpu.memory_space<vmem>> -> memref<1x1x1024xi32, #tpu.memory_space<vmem>>
      %dma_start3A_94 = tpu.memref_squeeze %dma_start3A_93 : memref<1x1x1024xi32, #tpu.memory_space<vmem>> -> memref<1024xi32, #tpu.memory_space<vmem>>
      %dma_start3A_95 = tpu.memref_slice %arg2[%mul3A_91] : memref<25165824xi32, #tpu.memory_space<hbm>> -> memref<1024xi32, #tpu.memory_space<hbm>>
      %dma_start3A_96 = arith.constant 0 : i32
      %dma_start3A_97 = tpu.memref_slice %arg4[%dma_start3A, %scan3A_79, %dma_start3A_96] : memref<3x12x1024xi32, #tpu.memory_space<vmem>> -> memref<1x1x1024xi32, #tpu.memory_space<vmem>>
      %dma_start3A_98 = tpu.memref_squeeze %dma_start3A_97 : memref<1x1x1024xi32, #tpu.memory_space<vmem>> -> memref<1024xi32, #tpu.memory_space<vmem>>
      %dma_start3A_99 = tpu.memref_slice %arg2[%mul3A_91] : memref<25165824xi32, #tpu.memory_space<hbm>> -> memref<1024xi32, #tpu.memory_space<hbm>>
      tpu.enqueue_dma source(%dma_start3A_99 : memref<1024xi32, #tpu.memory_space<hbm>>) target(%dma_start3A_98 : memref<1024xi32, #tpu.memory_space<vmem>>) target_semaphore(%arg7 : memref<!tpu.dma_semaphore, #tpu.memory_space<semaphore_mem>>)
    }
    %scan3A_51 = arith.constant 12 : i32
    %mul3A_52 = arith.constant 64 : i32
    %mul3A_53 = arith.muli %shift_right_arithmetic3A_1, %mul3A_52 : i32
    %add3A_54 = arith.addi %mul3A_53, %mul3A_8 : i32
    %add3A_55 = arith.constant 1 : i32
    %add3A_56 = arith.addi %add3A_54, %add3A_55 : i32
    %mul3A_57 = arith.constant 3 : i32
    %mul3A_58 = arith.muli %add3A_56, %mul3A_57 : i32
    %mul3A_59 = arith.constant 32 : i32
    %mul3A_60 = arith.muli %mul3A_58, %mul3A_59 : i32
    %add3A_61 = arith.addi %mul3A_60, %and3A_4 : i32
    %add3A_62 = arith.constant 0 : i32
    %add3A_63 = arith.addi %add3A_61, %add3A_62 : i32
    %scan3A_64 = arith.constant 0 : i32
    %scan3A_65 = arith.constant 0 : i32
    %scan3A_66 = arith.constant 12 : i32
    %scan3A_67 = arith.addi %scan3A_65, %scan3A_66 : i32
    %scan3A_68 = arith.constant 1 : i32
    scf.for %scan3A_79 = %scan3A_65 to %scan3A_67 step %scan3A_68  : i32 {
      %shift_right_arithmetic3A_80 = arith.constant 2 : i32
      %shift_right_arithmetic3A_81 = arith.shrsi %scan3A_79, %shift_right_arithmetic3A_80 : i32
      %mul3A_82 = arith.constant 32 : i32
      %mul3A_83 = arith.muli %shift_right_arithmetic3A_81, %mul3A_82 : i32
      %add3A_84 = arith.addi %add3A_63, %mul3A_83 : i32
      %and3A_85 = arith.constant 3 : i32
      %and3A_86 = arith.andi %scan3A_79, %and3A_85 : i32
      %mul3A_87 = arith.constant 4 : i32
      %mul3A_88 = arith.muli %and3A_86, %mul3A_87 : i32
      %add3A_89 = arith.addi %add3A_84, %mul3A_88 : i32
      %mul3A_90 = arith.constant 1024 : i32
      %mul3A_91 = arith.muli %add3A_89, %mul3A_90 : i32
      %dma_start3A = arith.constant 2 : i32
      %dma_start3A_92 = arith.constant 0 : i32
      %dma_start3A_93 = tpu.memref_slice %arg4[%dma_start3A, %scan3A_79, %dma_start3A_92] : memref<3x12x1024xi32, #tpu.memory_space<vmem>> -> memref<1x1x1024xi32, #tpu.memory_space<vmem>>
      %dma_start3A_94 = tpu.memref_squeeze %dma_start3A_93 : memref<1x1x1024xi32, #tpu.memory_space<vmem>> -> memref<1024xi32, #tpu.memory_space<vmem>>
      %dma_start3A_95 = tpu.memref_slice %arg2[%mul3A_91] : memref<25165824xi32, #tpu.memory_space<hbm>> -> memref<1024xi32, #tpu.memory_space<hbm>>
      %dma_start3A_96 = arith.constant 0 : i32
      %dma_start3A_97 = tpu.memref_slice %arg4[%dma_start3A, %scan3A_79, %dma_start3A_96] : memref<3x12x1024xi32, #tpu.memory_space<vmem>> -> memref<1x1x1024xi32, #tpu.memory_space<vmem>>
      %dma_start3A_98 = tpu.memref_squeeze %dma_start3A_97 : memref<1x1x1024xi32, #tpu.memory_space<vmem>> -> memref<1024xi32, #tpu.memory_space<vmem>>
      %dma_start3A_99 = tpu.memref_slice %arg2[%mul3A_91] : memref<25165824xi32, #tpu.memory_space<hbm>> -> memref<1024xi32, #tpu.memory_space<hbm>>
      tpu.enqueue_dma source(%dma_start3A_99 : memref<1024xi32, #tpu.memory_space<hbm>>) target(%dma_start3A_98 : memref<1024xi32, #tpu.memory_space<vmem>>) target_semaphore(%arg8 : memref<!tpu.dma_semaphore, #tpu.memory_space<semaphore_mem>>)
    }
    %scan3A_69 = arith.constant 12 : i32
    %scan3A_70 = arith.constant 0 : i32
    %scan3A_71 = arith.constant 0 : i32
    %scan3A_72 = arith.constant 64 : i32
    %scan3A_73 = arith.addi %scan3A_71, %scan3A_72 : i32
    %scan3A_74 = arith.constant 1 : i32
    %scan3A_75 = scf.for %scan3A_79 = %scan3A_71 to %scan3A_73 step %scan3A_74 iter_args(%scan3A_80 = %scan3A_70) -> (i32)  : i32 {
      %eq3A = arith.constant 0 : i32
      %eq3A_81 = arith.cmpi eq, %scan3A_80, %eq3A : i32
      %convert_element_type3A = arith.extui %eq3A_81 : i1 to i32
      %cond3A = arith.constant 0 : i32
      %cond3A_82 = arith.cmpi ne, %convert_element_type3A, %cond3A : i32
      scf.if %cond3A_82 {
        %scan3A_97 = arith.constant 0 : i32
        %scan3A_98 = arith.constant 0 : i32
        %scan3A_99 = arith.constant 12 : i32
        %scan3A_100 = arith.addi %scan3A_98, %scan3A_99 : i32
        %scan3A_101 = arith.constant 1 : i32
        scf.for %scan3A_112 = %scan3A_98 to %scan3A_100 step %scan3A_101  : i32 {
          %dma_wait3A = arith.constant 0 : i32
          %dma_wait3A_113 = arith.constant 0 : i32
          %dma_wait3A_114 = tpu.memref_slice %arg4[%dma_wait3A, %scan3A_112, %dma_wait3A_113] : memref<3x12x1024xi32, #tpu.memory_space<vmem>> -> memref<1x1x1024xi32, #tpu.memory_space<vmem>>
          %dma_wait3A_115 = tpu.memref_squeeze %dma_wait3A_114 : memref<1x1x1024xi32, #tpu.memory_space<vmem>> -> memref<1024xi32, #tpu.memory_space<vmem>>
          %dma_wait3A_116 = arith.constant 0 : i32
          %dma_wait3A_117 = tpu.memref_slice %arg2[%dma_wait3A_116] : memref<25165824xi32, #tpu.memory_space<hbm>> -> memref<1024xi32, #tpu.memory_space<hbm>>
          %dma_wait3A_118 = arith.constant 0 : i32
          %dma_wait3A_119 = tpu.memref_slice %arg4[%dma_wait3A, %scan3A_112, %dma_wait3A_118] : memref<3x12x1024xi32, #tpu.memory_space<vmem>> -> memref<1x1x1024xi32, #tpu.memory_space<vmem>>
          %dma_wait3A_120 = tpu.memref_squeeze %dma_wait3A_119 : memref<1x1x1024xi32, #tpu.memory_space<vmem>> -> memref<1024xi32, #tpu.memory_space<vmem>>
          %dma_wait3A_121 = arith.constant 0 : i32
          %dma_wait3A_122 = tpu.memref_slice %arg2[%dma_wait3A_121] : memref<25165824xi32, #tpu.memory_space<hbm>> -> memref<1024xi32, #tpu.memory_space<hbm>>
          tpu.wait_dma2 semaphore(%arg6 : memref<!tpu.dma_semaphore, #tpu.memory_space<semaphore_mem>>) src(%dma_wait3A_122 : memref<1024xi32, #tpu.memory_space<hbm>>) dst(%dma_wait3A_120 : memref<1024xi32, #tpu.memory_space<vmem>>)
        }
        %scan3A_102 = arith.constant 12 : i32
        %parallel_loop3A_103 = arith.constant 0 : i32
        %parallel_loop3A_104 = arith.constant 256 : i32
        %parallel_loop3A_105 = arith.constant 1 : i32
        scf.for %parallel_loop3A_112 = %parallel_loop3A_103 to %parallel_loop3A_104 step %parallel_loop3A_105  : i32 {
          %parallel_loop3A_113 = arith.constant 6 : i32
          %parallel_loop3A_114 = arith.shrsi %parallel_loop3A_112, %parallel_loop3A_113 : i32
          %parallel_loop3A_115 = arith.constant 63 : i32
          %parallel_loop3A_116 = arith.andi %parallel_loop3A_112, %parallel_loop3A_115 : i32
          %parallel_loop3A_117 = arith.constant 16 : i32
          %parallel_loop3A_118 = arith.muli %parallel_loop3A_116, %parallel_loop3A_117 : i32
          %parallel_loop3A_119 = arith.constant 0 : i32
          %parallel_loop3A_120 = arith.index_cast %parallel_loop3A_119 : i32 to index
          %parallel_loop3A_121 = arith.index_cast %parallel_loop3A_114 : i32 to index
          %parallel_loop3A_122 = arith.index_cast %parallel_loop3A_118 : i32 to index
          %parallel_loop3A_123 = tpu.vector_load %arg4[%parallel_loop3A_120, %parallel_loop3A_121, %parallel_loop3A_122] {strides = array<i32>} : memref<3x12x1024xi32, #tpu.memory_space<vmem>>, vector<16xi32>,
          %parallel_loop3A_124 = arith.constant 4 : i32
          %parallel_loop3A_125 = arith.addi %parallel_loop3A_114, %parallel_loop3A_124 : i32
          %parallel_loop3A_126 = arith.constant 0 : i32
          %parallel_loop3A_127 = arith.index_cast %parallel_loop3A_126 : i32 to index
          %parallel_loop3A_128 = arith.index_cast %parallel_loop3A_125 : i32 to index
          %parallel_loop3A_129 = arith.index_cast %parallel_loop3A_118 : i32 to index
          %parallel_loop3A_130 = tpu.vector_load %arg4[%parallel_loop3A_127, %parallel_loop3A_128, %parallel_loop3A_129] {strides = array<i32>} : memref<3x12x1024xi32, #tpu.memory_space<vmem>>, vector<16xi32>,
          %parallel_loop3A_131 = arith.constant 8 : i32
          %parallel_loop3A_132 = arith.addi %parallel_loop3A_114, %parallel_loop3A_131 : i32
          %parallel_loop3A_133 = arith.constant 0 : i32
          %parallel_loop3A_134 = arith.index_cast %parallel_loop3A_133 : i32 to index
          %parallel_loop3A_135 = arith.index_cast %parallel_loop3A_132 : i32 to index
          %parallel_loop3A_136 = arith.index_cast %parallel_loop3A_118 : i32 to index
          %parallel_loop3A_137 = tpu.vector_load %arg4[%parallel_loop3A_134, %parallel_loop3A_135, %parallel_loop3A_136] {strides = array<i32>} : memref<3x12x1024xi32, #tpu.memory_space<vmem>>, vector<16xi32>,
          %parallel_loop3A_138 = arith.constant 224 : i32
          %parallel_loop3A_139 = vector.broadcast %parallel_loop3A_138 : i32 to vector<16xi32>
          %parallel_loop3A_140 = arith.andi %parallel_loop3A_123, %parallel_loop3A_139 : vector<16xi32>
          %parallel_loop3A_141 = arith.constant 1 : i32
          %parallel_loop3A_142 = vector.broadcast %parallel_loop3A_141 : i32 to vector<16xi32>
          %parallel_loop3A_143 = arith.shli %parallel_loop3A_140, %parallel_loop3A_142 : vector<16xi32>
          %parallel_loop3A_144 = arith.constant 224 : i32
          %parallel_loop3A_145 = vector.broadcast %parallel_loop3A_144 : i32 to vector<16xi32>
          %parallel_loop3A_146 = arith.andi %parallel_loop3A_130, %parallel_loop3A_145 : vector<16xi32>
          %parallel_loop3A_147 = arith.constant 2 : i32
          %parallel_loop3A_148 = vector.broadcast %parallel_loop3A_147 : i32 to vector<16xi32>
          %parallel_loop3A_149 = arith.shrsi %parallel_loop3A_146, %parallel_loop3A_148 : vector<16xi32>
          %parallel_loop3A_150 = arith.addi %parallel_loop3A_143, %parallel_loop3A_149 : vector<16xi32>
          %parallel_loop3A_151 = arith.constant 5 : i32
          %parallel_loop3A_152 = vector.broadcast %parallel_loop3A_151 : i32 to vector<16xi32>
          %parallel_loop3A_153 = arith.shrsi %parallel_loop3A_137, %parallel_loop3A_152 : vector<16xi32>
          %parallel_loop3A_154 = arith.addi %parallel_loop3A_150, %parallel_loop3A_153 : vector<16xi32>
          %parallel_loop3A_155 = arith.constant 7 : i32
          %parallel_loop3A_156 = arith.andi %parallel_loop3A_112, %parallel_loop3A_155 : i32
          %parallel_loop3A_157 = arith.constant 16 : i32
          %parallel_loop3A_158 = arith.muli %parallel_loop3A_156, %parallel_loop3A_157 : i32
          %parallel_loop3A_159 = arith.constant 512 : i32
          %parallel_loop3A_160 = arith.muli %parallel_loop3A_158, %parallel_loop3A_159 : i32
          %parallel_loop3A_161 = vector.broadcast %parallel_loop3A_160 : i32 to vector<16xi32>
          %parallel_loop3A_162 = arith.addi %mul3A_11, %parallel_loop3A_161 : vector<16xi32>
          %parallel_loop3A_163 = arith.addi %parallel_loop3A_154, %parallel_loop3A_162 : vector<16xi32>
          tpu.vector_store_idx %arg5[%parallel_loop3A_163], %broadcast_in_dim3A_12 {add = true} : memref<65536xi32, #tpu.memory_space<vmem>>[vector<16xi32>], vector<16xi32>,
        } {sc.loop_unroll_factor = 8 : i64, sc.parallel_access}
        %add3A_106 = arith.constant 3 : i32
        %add3A_107 = arith.addi %scan3A_79, %add3A_106 : i32
        %lt3A = arith.constant 64 : i32
        %lt3A_108 = arith.cmpi slt, %add3A_107, %lt3A : i32
        %convert_element_type3A_109 = arith.extui %lt3A_108 : i1 to i32
        %cond3A_110 = arith.constant 0 : i32
        %cond3A_111 = arith.cmpi ne, %convert_element_type3A_109, %cond3A_110 : i32
        scf.if %cond3A_111 {
          %add3A_112 = arith.constant 3 : i32
          %add3A_113 = arith.addi %scan3A_79, %add3A_112 : i32
          %mul3A_114 = arith.constant 64 : i32
          %mul3A_115 = arith.muli %shift_right_arithmetic3A_1, %mul3A_114 : i32
          %add3A_116 = arith.addi %mul3A_115, %mul3A_8 : i32
          %shift_right_arithmetic3A_117 = arith.constant 1 : i32
          %shift_right_arithmetic3A_118 = arith.shrsi %add3A_113, %shift_right_arithmetic3A_117 : i32
          %add3A_119 = arith.addi %add3A_116, %shift_right_arithmetic3A_118 : i32
          %mul3A_120 = arith.constant 3 : i32
          %mul3A_121 = arith.muli %add3A_119, %mul3A_120 : i32
          %mul3A_122 = arith.constant 32 : i32
          %mul3A_123 = arith.muli %mul3A_121, %mul3A_122 : i32
          %add3A_124 = arith.addi %mul3A_123, %and3A_4 : i32
          %and3A_125 = arith.constant 1 : i32
          %and3A_126 = arith.andi %add3A_113, %and3A_125 : i32
          %mul3A_127 = arith.constant 16 : i32
          %mul3A_128 = arith.muli %and3A_126, %mul3A_127 : i32
          %add3A_129 = arith.addi %add3A_124, %mul3A_128 : i32
          %scan3A_130 = arith.constant 0 : i32
          %scan3A_131 = arith.constant 0 : i32
          %scan3A_132 = arith.constant 12 : i32
          %scan3A_133 = arith.addi %scan3A_131, %scan3A_132 : i32
          %scan3A_134 = arith.constant 1 : i32
          scf.for %scan3A_136 = %scan3A_131 to %scan3A_133 step %scan3A_134  : i32 {
            %shift_right_arithmetic3A_137 = arith.constant 2 : i32
            %shift_right_arithmetic3A_138 = arith.shrsi %scan3A_136, %shift_right_arithmetic3A_137 : i32
            %mul3A_139 = arith.constant 32 : i32
            %mul3A_140 = arith.muli %shift_right_arithmetic3A_138, %mul3A_139 : i32
            %add3A_141 = arith.addi %add3A_129, %mul3A_140 : i32
            %and3A_142 = arith.constant 3 : i32
            %and3A_143 = arith.andi %scan3A_136, %and3A_142 : i32
            %mul3A_144 = arith.constant 4 : i32
            %mul3A_145 = arith.muli %and3A_143, %mul3A_144 : i32
            %add3A_146 = arith.addi %add3A_141, %mul3A_145 : i32
            %mul3A_147 = arith.constant 1024 : i32
            %mul3A_148 = arith.muli %add3A_146, %mul3A_147 : i32
            %dma_start3A = arith.constant 0 : i32
            %dma_start3A_149 = arith.constant 0 : i32
            %dma_start3A_150 = tpu.memref_slice %arg4[%dma_start3A, %scan3A_136, %dma_start3A_149] : memref<3x12x1024xi32, #tpu.memory_space<vmem>> -> memref<1x1x1024xi32, #tpu.memory_space<vmem>>
            %dma_start3A_151 = tpu.memref_squeeze %dma_start3A_150 : memref<1x1x1024xi32, #tpu.memory_space<vmem>> -> memref<1024xi32, #tpu.memory_space<vmem>>
            %dma_start3A_152 = tpu.memref_slice %arg2[%mul3A_148] : memref<25165824xi32, #tpu.memory_space<hbm>> -> memref<1024xi32, #tpu.memory_space<hbm>>
            %dma_start3A_153 = arith.constant 0 : i32
            %dma_start3A_154 = tpu.memref_slice %arg4[%dma_start3A, %scan3A_136, %dma_start3A_153] : memref<3x12x1024xi32, #tpu.memory_space<vmem>> -> memref<1x1x1024xi32, #tpu.memory_space<vmem>>
            %dma_start3A_155 = tpu.memref_squeeze %dma_start3A_154 : memref<1x1x1024xi32, #tpu.memory_space<vmem>> -> memref<1024xi32, #tpu.memory_space<vmem>>
            %dma_start3A_156 = tpu.memref_slice %arg2[%mul3A_148] : memref<25165824xi32, #tpu.memory_space<hbm>> -> memref<1024xi32, #tpu.memory_space<hbm>>
            tpu.enqueue_dma source(%dma_start3A_156 : memref<1024xi32, #tpu.memory_space<hbm>>) target(%dma_start3A_155 : memref<1024xi32, #tpu.memory_space<vmem>>) target_semaphore(%arg6 : memref<!tpu.dma_semaphore, #tpu.memory_space<semaphore_mem>>)
          }
          %scan3A_135 = arith.constant 12 : i32
        } else {
        }
      } else {
      }
      %eq3A_83 = arith.constant 1 : i32
      %eq3A_84 = arith.cmpi eq, %scan3A_80, %eq3A_83 : i32
      %convert_element_type3A_85 = arith.extui %eq3A_84 : i1 to i32
      %cond3A_86 = arith.constant 0 : i32
      %cond3A_87 = arith.cmpi ne, %convert_element_type3A_85, %cond3A_86 : i32
      scf.if %cond3A_87 {
        %scan3A_97 = arith.constant 0 : i32
        %scan3A_98 = arith.constant 0 : i32
        %scan3A_99 = arith.constant 12 : i32
        %scan3A_100 = arith.addi %scan3A_98, %scan3A_99 : i32
        %scan3A_101 = arith.constant 1 : i32
        scf.for %scan3A_112 = %scan3A_98 to %scan3A_100 step %scan3A_101  : i32 {
          %dma_wait3A = arith.constant 1 : i32
          %dma_wait3A_113 = arith.constant 0 : i32
          %dma_wait3A_114 = tpu.memref_slice %arg4[%dma_wait3A, %scan3A_112, %dma_wait3A_113] : memref<3x12x1024xi32, #tpu.memory_space<vmem>> -> memref<1x1x1024xi32, #tpu.memory_space<vmem>>
          %dma_wait3A_115 = tpu.memref_squeeze %dma_wait3A_114 : memref<1x1x1024xi32, #tpu.memory_space<vmem>> -> memref<1024xi32, #tpu.memory_space<vmem>>
          %dma_wait3A_116 = arith.constant 0 : i32
          %dma_wait3A_117 = tpu.memref_slice %arg2[%dma_wait3A_116] : memref<25165824xi32, #tpu.memory_space<hbm>> -> memref<1024xi32, #tpu.memory_space<hbm>>
          %dma_wait3A_118 = arith.constant 0 : i32
          %dma_wait3A_119 = tpu.memref_slice %arg4[%dma_wait3A, %scan3A_112, %dma_wait3A_118] : memref<3x12x1024xi32, #tpu.memory_space<vmem>> -> memref<1x1x1024xi32, #tpu.memory_space<vmem>>
          %dma_wait3A_120 = tpu.memref_squeeze %dma_wait3A_119 : memref<1x1x1024xi32, #tpu.memory_space<vmem>> -> memref<1024xi32, #tpu.memory_space<vmem>>
          %dma_wait3A_121 = arith.constant 0 : i32
          %dma_wait3A_122 = tpu.memref_slice %arg2[%dma_wait3A_121] : memref<25165824xi32, #tpu.memory_space<hbm>> -> memref<1024xi32, #tpu.memory_space<hbm>>
          tpu.wait_dma2 semaphore(%arg7 : memref<!tpu.dma_semaphore, #tpu.memory_space<semaphore_mem>>) src(%dma_wait3A_122 : memref<1024xi32, #tpu.memory_space<hbm>>) dst(%dma_wait3A_120 : memref<1024xi32, #tpu.memory_space<vmem>>)
        }
        %scan3A_102 = arith.constant 12 : i32
        %parallel_loop3A_103 = arith.constant 0 : i32
        %parallel_loop3A_104 = arith.constant 256 : i32
        %parallel_loop3A_105 = arith.constant 1 : i32
        scf.for %parallel_loop3A_112 = %parallel_loop3A_103 to %parallel_loop3A_104 step %parallel_loop3A_105  : i32 {
          %parallel_loop3A_113 = arith.constant 6 : i32
          %parallel_loop3A_114 = arith.shrsi %parallel_loop3A_112, %parallel_loop3A_113 : i32
          %parallel_loop3A_115 = arith.constant 63 : i32
          %parallel_loop3A_116 = arith.andi %parallel_loop3A_112, %parallel_loop3A_115 : i32
          %parallel_loop3A_117 = arith.constant 16 : i32
          %parallel_loop3A_118 = arith.muli %parallel_loop3A_116, %parallel_loop3A_117 : i32
          %parallel_loop3A_119 = arith.constant 1 : i32
          %parallel_loop3A_120 = arith.index_cast %parallel_loop3A_119 : i32 to index
          %parallel_loop3A_121 = arith.index_cast %parallel_loop3A_114 : i32 to index
          %parallel_loop3A_122 = arith.index_cast %parallel_loop3A_118 : i32 to index
          %parallel_loop3A_123 = tpu.vector_load %arg4[%parallel_loop3A_120, %parallel_loop3A_121, %parallel_loop3A_122] {strides = array<i32>} : memref<3x12x1024xi32, #tpu.memory_space<vmem>>, vector<16xi32>,
          %parallel_loop3A_124 = arith.constant 4 : i32
          %parallel_loop3A_125 = arith.addi %parallel_loop3A_114, %parallel_loop3A_124 : i32
          %parallel_loop3A_126 = arith.constant 1 : i32
          %parallel_loop3A_127 = arith.index_cast %parallel_loop3A_126 : i32 to index
          %parallel_loop3A_128 = arith.index_cast %parallel_loop3A_125 : i32 to index
          %parallel_loop3A_129 = arith.index_cast %parallel_loop3A_118 : i32 to index
          %parallel_loop3A_130 = tpu.vector_load %arg4[%parallel_loop3A_127, %parallel_loop3A_128, %parallel_loop3A_129] {strides = array<i32>} : memref<3x12x1024xi32, #tpu.memory_space<vmem>>, vector<16xi32>,
          %parallel_loop3A_131 = arith.constant 8 : i32
          %parallel_loop3A_132 = arith.addi %parallel_loop3A_114, %parallel_loop3A_131 : i32
          %parallel_loop3A_133 = arith.constant 1 : i32
          %parallel_loop3A_134 = arith.index_cast %parallel_loop3A_133 : i32 to index
          %parallel_loop3A_135 = arith.index_cast %parallel_loop3A_132 : i32 to index
          %parallel_loop3A_136 = arith.index_cast %parallel_loop3A_118 : i32 to index
          %parallel_loop3A_137 = tpu.vector_load %arg4[%parallel_loop3A_134, %parallel_loop3A_135, %parallel_loop3A_136] {strides = array<i32>} : memref<3x12x1024xi32, #tpu.memory_space<vmem>>, vector<16xi32>,
          %parallel_loop3A_138 = arith.constant 224 : i32
          %parallel_loop3A_139 = vector.broadcast %parallel_loop3A_138 : i32 to vector<16xi32>
          %parallel_loop3A_140 = arith.andi %parallel_loop3A_123, %parallel_loop3A_139 : vector<16xi32>
          %parallel_loop3A_141 = arith.constant 1 : i32
          %parallel_loop3A_142 = vector.broadcast %parallel_loop3A_141 : i32 to vector<16xi32>
          %parallel_loop3A_143 = arith.shli %parallel_loop3A_140, %parallel_loop3A_142 : vector<16xi32>
          %parallel_loop3A_144 = arith.constant 224 : i32
          %parallel_loop3A_145 = vector.broadcast %parallel_loop3A_144 : i32 to vector<16xi32>
          %parallel_loop3A_146 = arith.andi %parallel_loop3A_130, %parallel_loop3A_145 : vector<16xi32>
          %parallel_loop3A_147 = arith.constant 2 : i32
          %parallel_loop3A_148 = vector.broadcast %parallel_loop3A_147 : i32 to vector<16xi32>
          %parallel_loop3A_149 = arith.shrsi %parallel_loop3A_146, %parallel_loop3A_148 : vector<16xi32>
          %parallel_loop3A_150 = arith.addi %parallel_loop3A_143, %parallel_loop3A_149 : vector<16xi32>
          %parallel_loop3A_151 = arith.constant 5 : i32
          %parallel_loop3A_152 = vector.broadcast %parallel_loop3A_151 : i32 to vector<16xi32>
          %parallel_loop3A_153 = arith.shrsi %parallel_loop3A_137, %parallel_loop3A_152 : vector<16xi32>
          %parallel_loop3A_154 = arith.addi %parallel_loop3A_150, %parallel_loop3A_153 : vector<16xi32>
          %parallel_loop3A_155 = arith.constant 7 : i32
          %parallel_loop3A_156 = arith.andi %parallel_loop3A_112, %parallel_loop3A_155 : i32
          %parallel_loop3A_157 = arith.constant 16 : i32
          %parallel_loop3A_158 = arith.muli %parallel_loop3A_156, %parallel_loop3A_157 : i32
          %parallel_loop3A_159 = arith.constant 512 : i32
          %parallel_loop3A_160 = arith.muli %parallel_loop3A_158, %parallel_loop3A_159 : i32
          %parallel_loop3A_161 = vector.broadcast %parallel_loop3A_160 : i32 to vector<16xi32>
          %parallel_loop3A_162 = arith.addi %mul3A_11, %parallel_loop3A_161 : vector<16xi32>
          %parallel_loop3A_163 = arith.addi %parallel_loop3A_154, %parallel_loop3A_162 : vector<16xi32>
          tpu.vector_store_idx %arg5[%parallel_loop3A_163], %broadcast_in_dim3A_12 {add = true} : memref<65536xi32, #tpu.memory_space<vmem>>[vector<16xi32>], vector<16xi32>,
        } {sc.loop_unroll_factor = 8 : i64, sc.parallel_access}
        %add3A_106 = arith.constant 3 : i32
        %add3A_107 = arith.addi %scan3A_79, %add3A_106 : i32
        %lt3A = arith.constant 64 : i32
        %lt3A_108 = arith.cmpi slt, %add3A_107, %lt3A : i32
        %convert_element_type3A_109 = arith.extui %lt3A_108 : i1 to i32
        %cond3A_110 = arith.constant 0 : i32
        %cond3A_111 = arith.cmpi ne, %convert_element_type3A_109, %cond3A_110 : i32
        scf.if %cond3A_111 {
          %add3A_112 = arith.constant 3 : i32
          %add3A_113 = arith.addi %scan3A_79, %add3A_112 : i32
          %mul3A_114 = arith.constant 64 : i32
          %mul3A_115 = arith.muli %shift_right_arithmetic3A_1, %mul3A_114 : i32
          %add3A_116 = arith.addi %mul3A_115, %mul3A_8 : i32
          %shift_right_arithmetic3A_117 = arith.constant 1 : i32
          %shift_right_arithmetic3A_118 = arith.shrsi %add3A_113, %shift_right_arithmetic3A_117 : i32
          %add3A_119 = arith.addi %add3A_116, %shift_right_arithmetic3A_118 : i32
          %mul3A_120 = arith.constant 3 : i32
          %mul3A_121 = arith.muli %add3A_119, %mul3A_120 : i32
          %mul3A_122 = arith.constant 32 : i32
          %mul3A_123 = arith.muli %mul3A_121, %mul3A_122 : i32
          %add3A_124 = arith.addi %mul3A_123, %and3A_4 : i32
          %and3A_125 = arith.constant 1 : i32
          %and3A_126 = arith.andi %add3A_113, %and3A_125 : i32
          %mul3A_127 = arith.constant 16 : i32
          %mul3A_128 = arith.muli %and3A_126, %mul3A_127 : i32
          %add3A_129 = arith.addi %add3A_124, %mul3A_128 : i32
          %scan3A_130 = arith.constant 0 : i32
          %scan3A_131 = arith.constant 0 : i32
          %scan3A_132 = arith.constant 12 : i32
          %scan3A_133 = arith.addi %scan3A_131, %scan3A_132 : i32
          %scan3A_134 = arith.constant 1 : i32
          scf.for %scan3A_136 = %scan3A_131 to %scan3A_133 step %scan3A_134  : i32 {
            %shift_right_arithmetic3A_137 = arith.constant 2 : i32
            %shift_right_arithmetic3A_138 = arith.shrsi %scan3A_136, %shift_right_arithmetic3A_137 : i32
            %mul3A_139 = arith.constant 32 : i32
            %mul3A_140 = arith.muli %shift_right_arithmetic3A_138, %mul3A_139 : i32
            %add3A_141 = arith.addi %add3A_129, %mul3A_140 : i32
            %and3A_142 = arith.constant 3 : i32
            %and3A_143 = arith.andi %scan3A_136, %and3A_142 : i32
            %mul3A_144 = arith.constant 4 : i32
            %mul3A_145 = arith.muli %and3A_143, %mul3A_144 : i32
            %add3A_146 = arith.addi %add3A_141, %mul3A_145 : i32
            %mul3A_147 = arith.constant 1024 : i32
            %mul3A_148 = arith.muli %add3A_146, %mul3A_147 : i32
            %dma_start3A = arith.constant 1 : i32
            %dma_start3A_149 = arith.constant 0 : i32
            %dma_start3A_150 = tpu.memref_slice %arg4[%dma_start3A, %scan3A_136, %dma_start3A_149] : memref<3x12x1024xi32, #tpu.memory_space<vmem>> -> memref<1x1x1024xi32, #tpu.memory_space<vmem>>
            %dma_start3A_151 = tpu.memref_squeeze %dma_start3A_150 : memref<1x1x1024xi32, #tpu.memory_space<vmem>> -> memref<1024xi32, #tpu.memory_space<vmem>>
            %dma_start3A_152 = tpu.memref_slice %arg2[%mul3A_148] : memref<25165824xi32, #tpu.memory_space<hbm>> -> memref<1024xi32, #tpu.memory_space<hbm>>
            %dma_start3A_153 = arith.constant 0 : i32
            %dma_start3A_154 = tpu.memref_slice %arg4[%dma_start3A, %scan3A_136, %dma_start3A_153] : memref<3x12x1024xi32, #tpu.memory_space<vmem>> -> memref<1x1x1024xi32, #tpu.memory_space<vmem>>
            %dma_start3A_155 = tpu.memref_squeeze %dma_start3A_154 : memref<1x1x1024xi32, #tpu.memory_space<vmem>> -> memref<1024xi32, #tpu.memory_space<vmem>>
            %dma_start3A_156 = tpu.memref_slice %arg2[%mul3A_148] : memref<25165824xi32, #tpu.memory_space<hbm>> -> memref<1024xi32, #tpu.memory_space<hbm>>
            tpu.enqueue_dma source(%dma_start3A_156 : memref<1024xi32, #tpu.memory_space<hbm>>) target(%dma_start3A_155 : memref<1024xi32, #tpu.memory_space<vmem>>) target_semaphore(%arg7 : memref<!tpu.dma_semaphore, #tpu.memory_space<semaphore_mem>>)
          }
          %scan3A_135 = arith.constant 12 : i32
        } else {
        }
      } else {
      }
      %eq3A_88 = arith.constant 2 : i32
      %eq3A_89 = arith.cmpi eq, %scan3A_80, %eq3A_88 : i32
      %convert_element_type3A_90 = arith.extui %eq3A_89 : i1 to i32
      %cond3A_91 = arith.constant 0 : i32
      %cond3A_92 = arith.cmpi ne, %convert_element_type3A_90, %cond3A_91 : i32
      scf.if %cond3A_92 {
        %scan3A_97 = arith.constant 0 : i32
        %scan3A_98 = arith.constant 0 : i32
        %scan3A_99 = arith.constant 12 : i32
        %scan3A_100 = arith.addi %scan3A_98, %scan3A_99 : i32
        %scan3A_101 = arith.constant 1 : i32
        scf.for %scan3A_112 = %scan3A_98 to %scan3A_100 step %scan3A_101  : i32 {
          %dma_wait3A = arith.constant 2 : i32
          %dma_wait3A_113 = arith.constant 0 : i32
          %dma_wait3A_114 = tpu.memref_slice %arg4[%dma_wait3A, %scan3A_112, %dma_wait3A_113] : memref<3x12x1024xi32, #tpu.memory_space<vmem>> -> memref<1x1x1024xi32, #tpu.memory_space<vmem>>
          %dma_wait3A_115 = tpu.memref_squeeze %dma_wait3A_114 : memref<1x1x1024xi32, #tpu.memory_space<vmem>> -> memref<1024xi32, #tpu.memory_space<vmem>>
          %dma_wait3A_116 = arith.constant 0 : i32
          %dma_wait3A_117 = tpu.memref_slice %arg2[%dma_wait3A_116] : memref<25165824xi32, #tpu.memory_space<hbm>> -> memref<1024xi32, #tpu.memory_space<hbm>>
          %dma_wait3A_118 = arith.constant 0 : i32
          %dma_wait3A_119 = tpu.memref_slice %arg4[%dma_wait3A, %scan3A_112, %dma_wait3A_118] : memref<3x12x1024xi32, #tpu.memory_space<vmem>> -> memref<1x1x1024xi32, #tpu.memory_space<vmem>>
          %dma_wait3A_120 = tpu.memref_squeeze %dma_wait3A_119 : memref<1x1x1024xi32, #tpu.memory_space<vmem>> -> memref<1024xi32, #tpu.memory_space<vmem>>
          %dma_wait3A_121 = arith.constant 0 : i32
          %dma_wait3A_122 = tpu.memref_slice %arg2[%dma_wait3A_121] : memref<25165824xi32, #tpu.memory_space<hbm>> -> memref<1024xi32, #tpu.memory_space<hbm>>
          tpu.wait_dma2 semaphore(%arg8 : memref<!tpu.dma_semaphore, #tpu.memory_space<semaphore_mem>>) src(%dma_wait3A_122 : memref<1024xi32, #tpu.memory_space<hbm>>) dst(%dma_wait3A_120 : memref<1024xi32, #tpu.memory_space<vmem>>)
        }
        %scan3A_102 = arith.constant 12 : i32
        %parallel_loop3A_103 = arith.constant 0 : i32
        %parallel_loop3A_104 = arith.constant 256 : i32
        %parallel_loop3A_105 = arith.constant 1 : i32
        scf.for %parallel_loop3A_112 = %parallel_loop3A_103 to %parallel_loop3A_104 step %parallel_loop3A_105  : i32 {
          %parallel_loop3A_113 = arith.constant 6 : i32
          %parallel_loop3A_114 = arith.shrsi %parallel_loop3A_112, %parallel_loop3A_113 : i32
          %parallel_loop3A_115 = arith.constant 63 : i32
          %parallel_loop3A_116 = arith.andi %parallel_loop3A_112, %parallel_loop3A_115 : i32
          %parallel_loop3A_117 = arith.constant 16 : i32
          %parallel_loop3A_118 = arith.muli %parallel_loop3A_116, %parallel_loop3A_117 : i32
          %parallel_loop3A_119 = arith.constant 2 : i32
          %parallel_loop3A_120 = arith.index_cast %parallel_loop3A_119 : i32 to index
          %parallel_loop3A_121 = arith.index_cast %parallel_loop3A_114 : i32 to index
          %parallel_loop3A_122 = arith.index_cast %parallel_loop3A_118 : i32 to index
          %parallel_loop3A_123 = tpu.vector_load %arg4[%parallel_loop3A_120, %parallel_loop3A_121, %parallel_loop3A_122] {strides = array<i32>} : memref<3x12x1024xi32, #tpu.memory_space<vmem>>, vector<16xi32>,
          %parallel_loop3A_124 = arith.constant 4 : i32
          %parallel_loop3A_125 = arith.addi %parallel_loop3A_114, %parallel_loop3A_124 : i32
          %parallel_loop3A_126 = arith.constant 2 : i32
          %parallel_loop3A_127 = arith.index_cast %parallel_loop3A_126 : i32 to index
          %parallel_loop3A_128 = arith.index_cast %parallel_loop3A_125 : i32 to index
          %parallel_loop3A_129 = arith.index_cast %parallel_loop3A_118 : i32 to index
          %parallel_loop3A_130 = tpu.vector_load %arg4[%parallel_loop3A_127, %parallel_loop3A_128, %parallel_loop3A_129] {strides = array<i32>} : memref<3x12x1024xi32, #tpu.memory_space<vmem>>, vector<16xi32>,
          %parallel_loop3A_131 = arith.constant 8 : i32
          %parallel_loop3A_132 = arith.addi %parallel_loop3A_114, %parallel_loop3A_131 : i32
          %parallel_loop3A_133 = arith.constant 2 : i32
          %parallel_loop3A_134 = arith.index_cast %parallel_loop3A_133 : i32 to index
          %parallel_loop3A_135 = arith.index_cast %parallel_loop3A_132 : i32 to index
          %parallel_loop3A_136 = arith.index_cast %parallel_loop3A_118 : i32 to index
          %parallel_loop3A_137 = tpu.vector_load %arg4[%parallel_loop3A_134, %parallel_loop3A_135, %parallel_loop3A_136] {strides = array<i32>} : memref<3x12x1024xi32, #tpu.memory_space<vmem>>, vector<16xi32>,
          %parallel_loop3A_138 = arith.constant 224 : i32
          %parallel_loop3A_139 = vector.broadcast %parallel_loop3A_138 : i32 to vector<16xi32>
          %parallel_loop3A_140 = arith.andi %parallel_loop3A_123, %parallel_loop3A_139 : vector<16xi32>
          %parallel_loop3A_141 = arith.constant 1 : i32
          %parallel_loop3A_142 = vector.broadcast %parallel_loop3A_141 : i32 to vector<16xi32>
          %parallel_loop3A_143 = arith.shli %parallel_loop3A_140, %parallel_loop3A_142 : vector<16xi32>
          %parallel_loop3A_144 = arith.constant 224 : i32
          %parallel_loop3A_145 = vector.broadcast %parallel_loop3A_144 : i32 to vector<16xi32>
          %parallel_loop3A_146 = arith.andi %parallel_loop3A_130, %parallel_loop3A_145 : vector<16xi32>
          %parallel_loop3A_147 = arith.constant 2 : i32
          %parallel_loop3A_148 = vector.broadcast %parallel_loop3A_147 : i32 to vector<16xi32>
          %parallel_loop3A_149 = arith.shrsi %parallel_loop3A_146, %parallel_loop3A_148 : vector<16xi32>
          %parallel_loop3A_150 = arith.addi %parallel_loop3A_143, %parallel_loop3A_149 : vector<16xi32>
          %parallel_loop3A_151 = arith.constant 5 : i32
          %parallel_loop3A_152 = vector.broadcast %parallel_loop3A_151 : i32 to vector<16xi32>
          %parallel_loop3A_153 = arith.shrsi %parallel_loop3A_137, %parallel_loop3A_152 : vector<16xi32>
          %parallel_loop3A_154 = arith.addi %parallel_loop3A_150, %parallel_loop3A_153 : vector<16xi32>
          %parallel_loop3A_155 = arith.constant 7 : i32
          %parallel_loop3A_156 = arith.andi %parallel_loop3A_112, %parallel_loop3A_155 : i32
          %parallel_loop3A_157 = arith.constant 16 : i32
          %parallel_loop3A_158 = arith.muli %parallel_loop3A_156, %parallel_loop3A_157 : i32
          %parallel_loop3A_159 = arith.constant 512 : i32
          %parallel_loop3A_160 = arith.muli %parallel_loop3A_158, %parallel_loop3A_159 : i32
          %parallel_loop3A_161 = vector.broadcast %parallel_loop3A_160 : i32 to vector<16xi32>
          %parallel_loop3A_162 = arith.addi %mul3A_11, %parallel_loop3A_161 : vector<16xi32>
          %parallel_loop3A_163 = arith.addi %parallel_loop3A_154, %parallel_loop3A_162 : vector<16xi32>
          tpu.vector_store_idx %arg5[%parallel_loop3A_163], %broadcast_in_dim3A_12 {add = true} : memref<65536xi32, #tpu.memory_space<vmem>>[vector<16xi32>], vector<16xi32>,
        } {sc.loop_unroll_factor = 8 : i64, sc.parallel_access}
        %add3A_106 = arith.constant 3 : i32
        %add3A_107 = arith.addi %scan3A_79, %add3A_106 : i32
        %lt3A = arith.constant 64 : i32
        %lt3A_108 = arith.cmpi slt, %add3A_107, %lt3A : i32
        %convert_element_type3A_109 = arith.extui %lt3A_108 : i1 to i32
        %cond3A_110 = arith.constant 0 : i32
        %cond3A_111 = arith.cmpi ne, %convert_element_type3A_109, %cond3A_110 : i32
        scf.if %cond3A_111 {
          %add3A_112 = arith.constant 3 : i32
          %add3A_113 = arith.addi %scan3A_79, %add3A_112 : i32
          %mul3A_114 = arith.constant 64 : i32
          %mul3A_115 = arith.muli %shift_right_arithmetic3A_1, %mul3A_114 : i32
          %add3A_116 = arith.addi %mul3A_115, %mul3A_8 : i32
          %shift_right_arithmetic3A_117 = arith.constant 1 : i32
          %shift_right_arithmetic3A_118 = arith.shrsi %add3A_113, %shift_right_arithmetic3A_117 : i32
          %add3A_119 = arith.addi %add3A_116, %shift_right_arithmetic3A_118 : i32
          %mul3A_120 = arith.constant 3 : i32
          %mul3A_121 = arith.muli %add3A_119, %mul3A_120 : i32
          %mul3A_122 = arith.constant 32 : i32
          %mul3A_123 = arith.muli %mul3A_121, %mul3A_122 : i32
          %add3A_124 = arith.addi %mul3A_123, %and3A_4 : i32
          %and3A_125 = arith.constant 1 : i32
          %and3A_126 = arith.andi %add3A_113, %and3A_125 : i32
          %mul3A_127 = arith.constant 16 : i32
          %mul3A_128 = arith.muli %and3A_126, %mul3A_127 : i32
          %add3A_129 = arith.addi %add3A_124, %mul3A_128 : i32
          %scan3A_130 = arith.constant 0 : i32
          %scan3A_131 = arith.constant 0 : i32
          %scan3A_132 = arith.constant 12 : i32
          %scan3A_133 = arith.addi %scan3A_131, %scan3A_132 : i32
          %scan3A_134 = arith.constant 1 : i32
          scf.for %scan3A_136 = %scan3A_131 to %scan3A_133 step %scan3A_134  : i32 {
            %shift_right_arithmetic3A_137 = arith.constant 2 : i32
            %shift_right_arithmetic3A_138 = arith.shrsi %scan3A_136, %shift_right_arithmetic3A_137 : i32
            %mul3A_139 = arith.constant 32 : i32
            %mul3A_140 = arith.muli %shift_right_arithmetic3A_138, %mul3A_139 : i32
            %add3A_141 = arith.addi %add3A_129, %mul3A_140 : i32
            %and3A_142 = arith.constant 3 : i32
            %and3A_143 = arith.andi %scan3A_136, %and3A_142 : i32
            %mul3A_144 = arith.constant 4 : i32
            %mul3A_145 = arith.muli %and3A_143, %mul3A_144 : i32
            %add3A_146 = arith.addi %add3A_141, %mul3A_145 : i32
            %mul3A_147 = arith.constant 1024 : i32
            %mul3A_148 = arith.muli %add3A_146, %mul3A_147 : i32
            %dma_start3A = arith.constant 2 : i32
            %dma_start3A_149 = arith.constant 0 : i32
            %dma_start3A_150 = tpu.memref_slice %arg4[%dma_start3A, %scan3A_136, %dma_start3A_149] : memref<3x12x1024xi32, #tpu.memory_space<vmem>> -> memref<1x1x1024xi32, #tpu.memory_space<vmem>>
            %dma_start3A_151 = tpu.memref_squeeze %dma_start3A_150 : memref<1x1x1024xi32, #tpu.memory_space<vmem>> -> memref<1024xi32, #tpu.memory_space<vmem>>
            %dma_start3A_152 = tpu.memref_slice %arg2[%mul3A_148] : memref<25165824xi32, #tpu.memory_space<hbm>> -> memref<1024xi32, #tpu.memory_space<hbm>>
            %dma_start3A_153 = arith.constant 0 : i32
            %dma_start3A_154 = tpu.memref_slice %arg4[%dma_start3A, %scan3A_136, %dma_start3A_153] : memref<3x12x1024xi32, #tpu.memory_space<vmem>> -> memref<1x1x1024xi32, #tpu.memory_space<vmem>>
            %dma_start3A_155 = tpu.memref_squeeze %dma_start3A_154 : memref<1x1x1024xi32, #tpu.memory_space<vmem>> -> memref<1024xi32, #tpu.memory_space<vmem>>
            %dma_start3A_156 = tpu.memref_slice %arg2[%mul3A_148] : memref<25165824xi32, #tpu.memory_space<hbm>> -> memref<1024xi32, #tpu.memory_space<hbm>>
            tpu.enqueue_dma source(%dma_start3A_156 : memref<1024xi32, #tpu.memory_space<hbm>>) target(%dma_start3A_155 : memref<1024xi32, #tpu.memory_space<vmem>>) target_semaphore(%arg8 : memref<!tpu.dma_semaphore, #tpu.memory_space<semaphore_mem>>)
          }
          %scan3A_135 = arith.constant 12 : i32
        } else {
        }
      } else {
      }
      %eq3A_93 = arith.constant 2 : i32
      %eq3A_94 = arith.cmpi eq, %scan3A_80, %eq3A_93 : i32
      %add3A_95 = arith.constant 1 : i32
      %add3A_96 = arith.addi %scan3A_80, %add3A_95 : i32
      %jit3A = arith.constant 0 : i32
      %select_n3A = arith.select %eq3A_94, %jit3A, %add3A_96 : i32
      scf.yield %select_n3A : i32
    }
    %scan3A_76 = arith.constant 64 : i32
    %mul3A_77 = arith.constant 65536 : i32
    %mul3A_78 = arith.muli %add3A, %mul3A_77 : i32
    "tpu.region"() ({
      %run_scoped3A = tpu.sem_alloc : memref<!tpu.dma_semaphore, #tpu.memory_space<semaphore_mem>>
      %dma_start3A = tpu.memref_slice %arg3[%mul3A_78] : memref<2097152xi32, #tpu.memory_space<hbm>> -> memref<65536xi32, #tpu.memory_space<hbm>>
      %dma_start3A_79 = tpu.memref_slice %arg3[%mul3A_78] : memref<2097152xi32, #tpu.memory_space<hbm>> -> memref<65536xi32, #tpu.memory_space<hbm>>
      tpu.enqueue_dma source(%arg5 : memref<65536xi32, #tpu.memory_space<vmem>>) target(%dma_start3A_79 : memref<65536xi32, #tpu.memory_space<hbm>>) target_semaphore(%run_scoped3A : memref<!tpu.dma_semaphore, #tpu.memory_space<semaphore_mem>>)
      %dma_wait3A = tpu.memref_slice %arg3[%mul3A_78] : memref<2097152xi32, #tpu.memory_space<hbm>> -> memref<65536xi32, #tpu.memory_space<hbm>>
      %dma_wait3A_80 = tpu.memref_slice %arg3[%mul3A_78] : memref<2097152xi32, #tpu.memory_space<hbm>> -> memref<65536xi32, #tpu.memory_space<hbm>>
      tpu.wait_dma2 semaphore(%run_scoped3A : memref<!tpu.dma_semaphore, #tpu.memory_space<semaphore_mem>>) src(%arg5 : memref<65536xi32, #tpu.memory_space<vmem>>) dst(%dma_wait3A_80 : memref<65536xi32, #tpu.memory_space<hbm>>)
      tpu.yield
    }) : () -> ()
    return
  }
}

module attributes {stable_mosaic.version = 14 : i64} {
  func.func @_phase2_kernel(%arg0: i32, %arg1: memref<1x4x2x128x512xi32, #tpu.memory_space<vmem>>, %arg2: memref<128x101xf32, #tpu.memory_space<vmem>>, %arg3: memref<1x128xf32, #tpu.memory_space<vmem>>, %arg4: memref<1x512x128xf32, #tpu.memory_space<vmem>>, %arg5: memref<512x640xf32, #tpu.memory_space<vmem>>) attributes {dimension_semantics = [#tpu.dimension_semantics<arbitrary>], iteration_bounds = array<i64: 4>, scalar_prefetch = 0 : i64, scratch_operands = 1 : i64, tpu.core_type = #tpu.core_type<tc>, window_params = [{transform_indices = @transform_0, window_bounds = array<i64: 1, 4, 2, 128, 512>}, {pipeline_mode = #tpu.pipeline_mode<synchronous>, transform_indices = @transform_1, window_bounds = array<i64: 128, 101>}, {pipeline_mode = #tpu.pipeline_mode<synchronous>, transform_indices = @transform_2, window_bounds = array<i64: 1, 128>}, {transform_indices = @transform_3, window_bounds = array<i64: 1, 512, 128>}]} {
    %get3A = arith.constant 0 : index
    %get3A_0 = arith.constant 0 : index
    %get3A_1 = arith.constant 0 : index
    %get3A_2 = arith.constant 0 : index
    %get3A_3 = arith.constant 0 : index
    %get3A_4 = vector.load %arg1[%get3A, %get3A_0, %get3A_1, %get3A_2, %get3A_3] : memref<1x4x2x128x512xi32, #tpu.memory_space<vmem>>, vector<1x4x1x128x512xi32>
    %get3A_5 = vector.shape_cast %get3A_4 : vector<1x4x1x128x512xi32> to vector<4x128x512xi32>
    %get3A_6 = arith.constant 0 : index
    %get3A_7 = arith.constant 0 : index
    %get3A_8 = arith.constant 1 : index
    %get3A_9 = arith.constant 0 : index
    %get3A_10 = arith.constant 0 : index
    %get3A_11 = vector.load %arg1[%get3A_6, %get3A_7, %get3A_8, %get3A_9, %get3A_10] : memref<1x4x2x128x512xi32, #tpu.memory_space<vmem>>, vector<1x4x1x128x512xi32>
    %get3A_12 = vector.shape_cast %get3A_11 : vector<1x4x1x128x512xi32> to vector<4x128x512xi32>
    %add3A = arith.addi %get3A_5, %get3A_12 : vector<4x128x512xi32>
    %slice3A = vector.extract_strided_slice %add3A {offsets = [0, 0, 0], sizes = [1, 128, 512], strides = [1, 1, 1]} : vector<4x128x512xi32> to vector<1x128x512xi32>
    %squeeze3A = vector.shape_cast %slice3A : vector<1x128x512xi32> to vector<128x512xi32>
    %slice3A_13 = vector.extract_strided_slice %add3A {offsets = [1, 0, 0], sizes = [1, 128, 512], strides = [1, 1, 1]} : vector<4x128x512xi32> to vector<1x128x512xi32>
    %squeeze3A_14 = vector.shape_cast %slice3A_13 : vector<1x128x512xi32> to vector<128x512xi32>
    %slice3A_15 = vector.extract_strided_slice %add3A {offsets = [2, 0, 0], sizes = [1, 128, 512], strides = [1, 1, 1]} : vector<4x128x512xi32> to vector<1x128x512xi32>
    %squeeze3A_16 = vector.shape_cast %slice3A_15 : vector<1x128x512xi32> to vector<128x512xi32>
    %slice3A_17 = vector.extract_strided_slice %add3A {offsets = [3, 0, 0], sizes = [1, 128, 512], strides = [1, 1, 1]} : vector<4x128x512xi32> to vector<1x128x512xi32>
    %squeeze3A_18 = vector.shape_cast %slice3A_17 : vector<1x128x512xi32> to vector<128x512xi32>
    %concatenate3A = tpu.concatenate %squeeze3A, %squeeze3A_14, %squeeze3A_16, %squeeze3A_18 in 0 : vector<128x512xi32>, vector<128x512xi32>, vector<128x512xi32>, vector<128x512xi32> -> vector<512x512xi32>
    %convert_element_type3A = arith.sitofp %concatenate3A : vector<512x512xi32> to vector<512x512xf32>
    %mul3A = arith.mulf %convert_element_type3A, %convert_element_type3A : vector<512x512xf32>
    %reduce_sum3A = arith.constant dense<0.000000e+00> : vector<512xf32>
    %reduce_sum3A_19 = vector.multi_reduction <add>, %mul3A, %reduce_sum3A [1] : vector<512x512xf32> to vector<512xf32>
    %broadcast_in_dim3A = vector.shape_cast %reduce_sum3A_19 : vector<512xf32> to vector<512x1xf32>
    %sqrt3A = math.sqrt %broadcast_in_dim3A : vector<512x1xf32>
    %max3A = arith.constant 9.99999996E-13 : f32
    %max3A_20 = vector.broadcast %max3A : f32 to vector<512x1xf32>
    %max3A_21 = arith.maximumf %sqrt3A, %max3A_20 : vector<512x1xf32>
    %div3A = vector.broadcast %max3A_21 : vector<512x1xf32> to vector<512x512xf32>
    %div3A_22 = arith.divf %convert_element_type3A, %div3A : vector<512x512xf32>
    %dot_general3A = arith.constant dense<0.000000e+00> : vector<512x512xf32>
    %dot_general3A_23 = tpu.matmul %div3A_22, %div3A_22, %dot_general3A {dimension_numbers = #tpu.dot_dimension_numbers<[1], [1], [0], [0], [0, 0, 1, 0], [], []>, transpose_lhs_hint = false} : vector<512x512xf32>, vector<512x512xf32>, vector<512x512xf32> -> vector<512x512xf32>
    %broadcast_in_dim3A_24 = arith.constant 0.000000e+00 : f32
    %broadcast_in_dim3A_25 = vector.broadcast %broadcast_in_dim3A_24 : f32 to vector<512x640xf32>
    %swap3A = arith.constant 0 : index
    %swap3A_26 = arith.constant 0 : index
    %swap3A_27 = vector.load %arg5[%swap3A, %swap3A_26] : memref<512x640xf32, #tpu.memory_space<vmem>>, vector<512x640xf32>
    tpu.vector_store %arg5[%swap3A, %swap3A_26], %broadcast_in_dim3A_25 {strides = array<i32>} : memref<512x640xf32, #tpu.memory_space<vmem>>, vector<512x640xf32>,
    %swap3A_28 = arith.constant 0 : index
    %swap3A_29 = arith.constant 50 : index
    %swap3A_30 = vector.load %arg5[%swap3A_28, %swap3A_29] : memref<512x640xf32, #tpu.memory_space<vmem>>, vector<512x512xf32>
    tpu.vector_store %arg5[%swap3A_28, %swap3A_29], %dot_general3A_23 {strides = array<i32>} : memref<512x640xf32, #tpu.memory_space<vmem>>, vector<512x512xf32>,
    %get3A_31 = arith.constant 0 : index
    %get3A_32 = arith.constant 0 : index
    %get3A_33 = vector.load %arg2[%get3A_31, %get3A_32] : memref<128x101xf32, #tpu.memory_space<vmem>>, vector<128x101xf32>
    %get3A_34 = arith.constant 0 : index
    %get3A_35 = arith.constant 0 : index
    %get3A_36 = vector.load %arg3[%get3A_34, %get3A_35] : memref<1x128xf32, #tpu.memory_space<vmem>>, vector<1x128xf32>
    %get3A_37 = arith.constant 0 : index
    %get3A_38 = arith.constant 0 : index
    %get3A_39 = vector.load %arg5[%get3A_37, %get3A_38] : memref<512x640xf32, #tpu.memory_space<vmem>>, vector<128x256xf32>
    %iota3A = tpu.iota {dimensions = array<i32: 0>} : vector<128x256xi32>
    %slice3A_40 = vector.extract_strided_slice %get3A_39 {offsets = [0, 1], sizes = [128, 255], strides = [1, 1]} : vector<128x256xf32> to vector<128x255xf32>
    %slice3A_41 = vector.extract_strided_slice %get3A_39 {offsets = [0, 0], sizes = [128, 1], strides = [1, 1]} : vector<128x256xf32> to vector<128x1xf32>
    %concatenate3A_42 = tpu.concatenate %slice3A_40, %slice3A_41 in 1 : vector<128x255xf32>, vector<128x1xf32> -> vector<128x256xf32>
    %and3A = arith.constant 1 : i32
    %and3A_43 = vector.broadcast %and3A : i32 to vector<128x256xi32>
    %and3A_44 = arith.andi %iota3A, %and3A_43 : vector<128x256xi32>
    %ne3A = arith.constant 0 : i32
    %ne3A_45 = vector.broadcast %ne3A : i32 to vector<128x256xi32>
    %ne3A_46 = arith.cmpi ne, %and3A_44, %ne3A_45 : vector<128x256xi32>
    %select_n3A = arith.select %ne3A_46, %concatenate3A_42, %get3A_39 : vector<128x256xi1>, vector<128x256xf32>
    %slice3A_47 = vector.extract_strided_slice %select_n3A {offsets = [0, 2], sizes = [128, 254], strides = [1, 1]} : vector<128x256xf32> to vector<128x254xf32>
    %slice3A_48 = vector.extract_strided_slice %select_n3A {offsets = [0, 0], sizes = [128, 2], strides = [1, 1]} : vector<128x256xf32> to vector<128x2xf32>
    %concatenate3A_49 = tpu.concatenate %slice3A_47, %slice3A_48 in 1 : vector<128x254xf32>, vector<128x2xf32> -> vector<128x256xf32>
    %and3A_50 = arith.constant 2 : i32
    %and3A_51 = vector.broadcast %and3A_50 : i32 to vector<128x256xi32>
    %and3A_52 = arith.andi %iota3A, %and3A_51 : vector<128x256xi32>
    %ne3A_53 = arith.constant 0 : i32
    %ne3A_54 = vector.broadcast %ne3A_53 : i32 to vector<128x256xi32>
    %ne3A_55 = arith.cmpi ne, %and3A_52, %ne3A_54 : vector<128x256xi32>
    %select_n3A_56 = arith.select %ne3A_55, %concatenate3A_49, %select_n3A : vector<128x256xi1>, vector<128x256xf32>
    %slice3A_57 = vector.extract_strided_slice %select_n3A_56 {offsets = [0, 4], sizes = [128, 252], strides = [1, 1]} : vector<128x256xf32> to vector<128x252xf32>
    %slice3A_58 = vector.extract_strided_slice %select_n3A_56 {offsets = [0, 0], sizes = [128, 4], strides = [1, 1]} : vector<128x256xf32> to vector<128x4xf32>
    %concatenate3A_59 = tpu.concatenate %slice3A_57, %slice3A_58 in 1 : vector<128x252xf32>, vector<128x4xf32> -> vector<128x256xf32>
    %and3A_60 = arith.constant 4 : i32
    %and3A_61 = vector.broadcast %and3A_60 : i32 to vector<128x256xi32>
    %and3A_62 = arith.andi %iota3A, %and3A_61 : vector<128x256xi32>
    %ne3A_63 = arith.constant 0 : i32
    %ne3A_64 = vector.broadcast %ne3A_63 : i32 to vector<128x256xi32>
    %ne3A_65 = arith.cmpi ne, %and3A_62, %ne3A_64 : vector<128x256xi32>
    %select_n3A_66 = arith.select %ne3A_65, %concatenate3A_59, %select_n3A_56 : vector<128x256xi1>, vector<128x256xf32>
    %slice3A_67 = vector.extract_strided_slice %select_n3A_66 {offsets = [0, 8], sizes = [128, 248], strides = [1, 1]} : vector<128x256xf32> to vector<128x248xf32>
    %slice3A_68 = vector.extract_strided_slice %select_n3A_66 {offsets = [0, 0], sizes = [128, 8], strides = [1, 1]} : vector<128x256xf32> to vector<128x8xf32>
    %concatenate3A_69 = tpu.concatenate %slice3A_67, %slice3A_68 in 1 : vector<128x248xf32>, vector<128x8xf32> -> vector<128x256xf32>
    %and3A_70 = arith.constant 8 : i32
    %and3A_71 = vector.broadcast %and3A_70 : i32 to vector<128x256xi32>
    %and3A_72 = arith.andi %iota3A, %and3A_71 : vector<128x256xi32>
    %ne3A_73 = arith.constant 0 : i32
    %ne3A_74 = vector.broadcast %ne3A_73 : i32 to vector<128x256xi32>
    %ne3A_75 = arith.cmpi ne, %and3A_72, %ne3A_74 : vector<128x256xi32>
    %select_n3A_76 = arith.select %ne3A_75, %concatenate3A_69, %select_n3A_66 : vector<128x256xi1>, vector<128x256xf32>
    %slice3A_77 = vector.extract_strided_slice %select_n3A_76 {offsets = [0, 16], sizes = [128, 240], strides = [1, 1]} : vector<128x256xf32> to vector<128x240xf32>
    %slice3A_78 = vector.extract_strided_slice %select_n3A_76 {offsets = [0, 0], sizes = [128, 16], strides = [1, 1]} : vector<128x256xf32> to vector<128x16xf32>
    %concatenate3A_79 = tpu.concatenate %slice3A_77, %slice3A_78 in 1 : vector<128x240xf32>, vector<128x16xf32> -> vector<128x256xf32>
    %and3A_80 = arith.constant 16 : i32
    %and3A_81 = vector.broadcast %and3A_80 : i32 to vector<128x256xi32>
    %and3A_82 = arith.andi %iota3A, %and3A_81 : vector<128x256xi32>
    %ne3A_83 = arith.constant 0 : i32
    %ne3A_84 = vector.broadcast %ne3A_83 : i32 to vector<128x256xi32>
    %ne3A_85 = arith.cmpi ne, %and3A_82, %ne3A_84 : vector<128x256xi32>
    %select_n3A_86 = arith.select %ne3A_85, %concatenate3A_79, %select_n3A_76 : vector<128x256xi1>, vector<128x256xf32>
    %slice3A_87 = vector.extract_strided_slice %select_n3A_86 {offsets = [0, 32], sizes = [128, 224], strides = [1, 1]} : vector<128x256xf32> to vector<128x224xf32>
    %slice3A_88 = vector.extract_strided_slice %select_n3A_86 {offsets = [0, 0], sizes = [128, 32], strides = [1, 1]} : vector<128x256xf32> to vector<128x32xf32>
    %concatenate3A_89 = tpu.concatenate %slice3A_87, %slice3A_88 in 1 : vector<128x224xf32>, vector<128x32xf32> -> vector<128x256xf32>
    %and3A_90 = arith.constant 32 : i32
    %and3A_91 = vector.broadcast %and3A_90 : i32 to vector<128x256xi32>
    %and3A_92 = arith.andi %iota3A, %and3A_91 : vector<128x256xi32>
    %ne3A_93 = arith.constant 0 : i32
    %ne3A_94 = vector.broadcast %ne3A_93 : i32 to vector<128x256xi32>
    %ne3A_95 = arith.cmpi ne, %and3A_92, %ne3A_94 : vector<128x256xi32>
    %select_n3A_96 = arith.select %ne3A_95, %concatenate3A_89, %select_n3A_86 : vector<128x256xi1>, vector<128x256xf32>
    %slice3A_97 = vector.extract_strided_slice %select_n3A_96 {offsets = [0, 64], sizes = [128, 192], strides = [1, 1]} : vector<128x256xf32> to vector<128x192xf32>
    %slice3A_98 = vector.extract_strided_slice %select_n3A_96 {offsets = [0, 0], sizes = [128, 64], strides = [1, 1]} : vector<128x256xf32> to vector<128x64xf32>
    %concatenate3A_99 = tpu.concatenate %slice3A_97, %slice3A_98 in 1 : vector<128x192xf32>, vector<128x64xf32> -> vector<128x256xf32>
    %and3A_100 = arith.constant 64 : i32
    %and3A_101 = vector.broadcast %and3A_100 : i32 to vector<128x256xi32>
    %and3A_102 = arith.andi %iota3A, %and3A_101 : vector<128x256xi32>
    %ne3A_103 = arith.constant 0 : i32
    %ne3A_104 = vector.broadcast %ne3A_103 : i32 to vector<128x256xi32>
    %ne3A_105 = arith.cmpi ne, %and3A_102, %ne3A_104 : vector<128x256xi32>
    %select_n3A_106 = arith.select %ne3A_105, %concatenate3A_99, %select_n3A_96 : vector<128x256xi1>, vector<128x256xf32>
    %slice3A_107 = vector.extract_strided_slice %select_n3A_106 {offsets = [0, 0], sizes = [128, 101], strides = [1, 1]} : vector<128x256xf32> to vector<128x101xf32>
    %dot_general3A_108 = arith.constant dense<0.000000e+00> : vector<128x128xf32>
    %dot_general3A_109 = tpu.matmul %slice3A_107, %get3A_33, %dot_general3A_108 {dimension_numbers = #tpu.dot_dimension_numbers<[1], [1], [0], [0], [0, 0, 1, 0], [], []>, transpose_lhs_hint = false} : vector<128x101xf32>, vector<128x101xf32>, vector<128x128xf32> -> vector<128x128xf32>
    %add3A_110 = vector.broadcast %get3A_36 : vector<1x128xf32> to vector<128x128xf32>
    %add3A_111 = arith.addf %dot_general3A_109, %add3A_110 : vector<128x128xf32>
    %max3A_112 = arith.constant 0.000000e+00 : f32
    %max3A_113 = vector.broadcast %max3A_112 : f32 to vector<128x128xf32>
    %max3A_114 = arith.maximumf %add3A_111, %max3A_113 : vector<128x128xf32>
    %swap3A_115 = arith.constant 0 : index
    %swap3A_116 = arith.constant 0 : index
    %swap3A_117 = arith.constant 0 : index
    %swap3A_118 = vector.load %arg4[%swap3A_115, %swap3A_116, %swap3A_117] : memref<1x512x128xf32, #tpu.memory_space<vmem>>, vector<1x128x128xf32>
    %swap3A_119 = vector.shape_cast %swap3A_118 : vector<1x128x128xf32> to vector<128x128xf32>
    %swap3A_120 = vector.shape_cast %max3A_114 : vector<128x128xf32> to vector<1x128x128xf32>
    tpu.vector_store %arg4[%swap3A_115, %swap3A_116, %swap3A_117], %swap3A_120 {strides = array<i32>} : memref<1x512x128xf32, #tpu.memory_space<vmem>>, vector<1x128x128xf32>,
    %get3A_121 = arith.constant 128 : index
    %get3A_122 = arith.constant 128 : index
    %get3A_123 = vector.load %arg5[%get3A_121, %get3A_122] : memref<512x640xf32, #tpu.memory_space<vmem>>, vector<128x256xf32>
    %iota3A_124 = tpu.iota {dimensions = array<i32: 0>} : vector<128x256xi32>
    %slice3A_125 = vector.extract_strided_slice %get3A_123 {offsets = [0, 1], sizes = [128, 255], strides = [1, 1]} : vector<128x256xf32> to vector<128x255xf32>
    %slice3A_126 = vector.extract_strided_slice %get3A_123 {offsets = [0, 0], sizes = [128, 1], strides = [1, 1]} : vector<128x256xf32> to vector<128x1xf32>
    %concatenate3A_127 = tpu.concatenate %slice3A_125, %slice3A_126 in 1 : vector<128x255xf32>, vector<128x1xf32> -> vector<128x256xf32>
    %and3A_128 = arith.constant 1 : i32
    %and3A_129 = vector.broadcast %and3A_128 : i32 to vector<128x256xi32>
    %and3A_130 = arith.andi %iota3A_124, %and3A_129 : vector<128x256xi32>
    %ne3A_131 = arith.constant 0 : i32
    %ne3A_132 = vector.broadcast %ne3A_131 : i32 to vector<128x256xi32>
    %ne3A_133 = arith.cmpi ne, %and3A_130, %ne3A_132 : vector<128x256xi32>
    %select_n3A_134 = arith.select %ne3A_133, %concatenate3A_127, %get3A_123 : vector<128x256xi1>, vector<128x256xf32>
    %slice3A_135 = vector.extract_strided_slice %select_n3A_134 {offsets = [0, 2], sizes = [128, 254], strides = [1, 1]} : vector<128x256xf32> to vector<128x254xf32>
    %slice3A_136 = vector.extract_strided_slice %select_n3A_134 {offsets = [0, 0], sizes = [128, 2], strides = [1, 1]} : vector<128x256xf32> to vector<128x2xf32>
    %concatenate3A_137 = tpu.concatenate %slice3A_135, %slice3A_136 in 1 : vector<128x254xf32>, vector<128x2xf32> -> vector<128x256xf32>
    %and3A_138 = arith.constant 2 : i32
    %and3A_139 = vector.broadcast %and3A_138 : i32 to vector<128x256xi32>
    %and3A_140 = arith.andi %iota3A_124, %and3A_139 : vector<128x256xi32>
    %ne3A_141 = arith.constant 0 : i32
    %ne3A_142 = vector.broadcast %ne3A_141 : i32 to vector<128x256xi32>
    %ne3A_143 = arith.cmpi ne, %and3A_140, %ne3A_142 : vector<128x256xi32>
    %select_n3A_144 = arith.select %ne3A_143, %concatenate3A_137, %select_n3A_134 : vector<128x256xi1>, vector<128x256xf32>
    %slice3A_145 = vector.extract_strided_slice %select_n3A_144 {offsets = [0, 4], sizes = [128, 252], strides = [1, 1]} : vector<128x256xf32> to vector<128x252xf32>
    %slice3A_146 = vector.extract_strided_slice %select_n3A_144 {offsets = [0, 0], sizes = [128, 4], strides = [1, 1]} : vector<128x256xf32> to vector<128x4xf32>
    %concatenate3A_147 = tpu.concatenate %slice3A_145, %slice3A_146 in 1 : vector<128x252xf32>, vector<128x4xf32> -> vector<128x256xf32>
    %and3A_148 = arith.constant 4 : i32
    %and3A_149 = vector.broadcast %and3A_148 : i32 to vector<128x256xi32>
    %and3A_150 = arith.andi %iota3A_124, %and3A_149 : vector<128x256xi32>
    %ne3A_151 = arith.constant 0 : i32
    %ne3A_152 = vector.broadcast %ne3A_151 : i32 to vector<128x256xi32>
    %ne3A_153 = arith.cmpi ne, %and3A_150, %ne3A_152 : vector<128x256xi32>
    %select_n3A_154 = arith.select %ne3A_153, %concatenate3A_147, %select_n3A_144 : vector<128x256xi1>, vector<128x256xf32>
    %slice3A_155 = vector.extract_strided_slice %select_n3A_154 {offsets = [0, 8], sizes = [128, 248], strides = [1, 1]} : vector<128x256xf32> to vector<128x248xf32>
    %slice3A_156 = vector.extract_strided_slice %select_n3A_154 {offsets = [0, 0], sizes = [128, 8], strides = [1, 1]} : vector<128x256xf32> to vector<128x8xf32>
    %concatenate3A_157 = tpu.concatenate %slice3A_155, %slice3A_156 in 1 : vector<128x248xf32>, vector<128x8xf32> -> vector<128x256xf32>
    %and3A_158 = arith.constant 8 : i32
    %and3A_159 = vector.broadcast %and3A_158 : i32 to vector<128x256xi32>
    %and3A_160 = arith.andi %iota3A_124, %and3A_159 : vector<128x256xi32>
    %ne3A_161 = arith.constant 0 : i32
    %ne3A_162 = vector.broadcast %ne3A_161 : i32 to vector<128x256xi32>
    %ne3A_163 = arith.cmpi ne, %and3A_160, %ne3A_162 : vector<128x256xi32>
    %select_n3A_164 = arith.select %ne3A_163, %concatenate3A_157, %select_n3A_154 : vector<128x256xi1>, vector<128x256xf32>
    %slice3A_165 = vector.extract_strided_slice %select_n3A_164 {offsets = [0, 16], sizes = [128, 240], strides = [1, 1]} : vector<128x256xf32> to vector<128x240xf32>
    %slice3A_166 = vector.extract_strided_slice %select_n3A_164 {offsets = [0, 0], sizes = [128, 16], strides = [1, 1]} : vector<128x256xf32> to vector<128x16xf32>
    %concatenate3A_167 = tpu.concatenate %slice3A_165, %slice3A_166 in 1 : vector<128x240xf32>, vector<128x16xf32> -> vector<128x256xf32>
    %and3A_168 = arith.constant 16 : i32
    %and3A_169 = vector.broadcast %and3A_168 : i32 to vector<128x256xi32>
    %and3A_170 = arith.andi %iota3A_124, %and3A_169 : vector<128x256xi32>
    %ne3A_171 = arith.constant 0 : i32
    %ne3A_172 = vector.broadcast %ne3A_171 : i32 to vector<128x256xi32>
    %ne3A_173 = arith.cmpi ne, %and3A_170, %ne3A_172 : vector<128x256xi32>
    %select_n3A_174 = arith.select %ne3A_173, %concatenate3A_167, %select_n3A_164 : vector<128x256xi1>, vector<128x256xf32>
    %slice3A_175 = vector.extract_strided_slice %select_n3A_174 {offsets = [0, 32], sizes = [128, 224], strides = [1, 1]} : vector<128x256xf32> to vector<128x224xf32>
    %slice3A_176 = vector.extract_strided_slice %select_n3A_174 {offsets = [0, 0], sizes = [128, 32], strides = [1, 1]} : vector<128x256xf32> to vector<128x32xf32>
    %concatenate3A_177 = tpu.concatenate %slice3A_175, %slice3A_176 in 1 : vector<128x224xf32>, vector<128x32xf32> -> vector<128x256xf32>
    %and3A_178 = arith.constant 32 : i32
    %and3A_179 = vector.broadcast %and3A_178 : i32 to vector<128x256xi32>
    %and3A_180 = arith.andi %iota3A_124, %and3A_179 : vector<128x256xi32>
    %ne3A_181 = arith.constant 0 : i32
    %ne3A_182 = vector.broadcast %ne3A_181 : i32 to vector<128x256xi32>
    %ne3A_183 = arith.cmpi ne, %and3A_180, %ne3A_182 : vector<128x256xi32>
    %select_n3A_184 = arith.select %ne3A_183, %concatenate3A_177, %select_n3A_174 : vector<128x256xi1>, vector<128x256xf32>
    %slice3A_185 = vector.extract_strided_slice %select_n3A_184 {offsets = [0, 64], sizes = [128, 192], strides = [1, 1]} : vector<128x256xf32> to vector<128x192xf32>
    %slice3A_186 = vector.extract_strided_slice %select_n3A_184 {offsets = [0, 0], sizes = [128, 64], strides = [1, 1]} : vector<128x256xf32> to vector<128x64xf32>
    %concatenate3A_187 = tpu.concatenate %slice3A_185, %slice3A_186 in 1 : vector<128x192xf32>, vector<128x64xf32> -> vector<128x256xf32>
    %and3A_188 = arith.constant 64 : i32
    %and3A_189 = vector.broadcast %and3A_188 : i32 to vector<128x256xi32>
    %and3A_190 = arith.andi %iota3A_124, %and3A_189 : vector<128x256xi32>
    %ne3A_191 = arith.constant 0 : i32
    %ne3A_192 = vector.broadcast %ne3A_191 : i32 to vector<128x256xi32>
    %ne3A_193 = arith.cmpi ne, %and3A_190, %ne3A_192 : vector<128x256xi32>
    %select_n3A_194 = arith.select %ne3A_193, %concatenate3A_187, %select_n3A_184 : vector<128x256xi1>, vector<128x256xf32>
    %slice3A_195 = vector.extract_strided_slice %select_n3A_194 {offsets = [0, 0], sizes = [128, 101], strides = [1, 1]} : vector<128x256xf32> to vector<128x101xf32>
    %dot_general3A_196 = arith.constant dense<0.000000e+00> : vector<128x128xf32>
    %dot_general3A_197 = tpu.matmul %slice3A_195, %get3A_33, %dot_general3A_196 {dimension_numbers = #tpu.dot_dimension_numbers<[1], [1], [0], [0], [0, 0, 1, 0], [], []>, transpose_lhs_hint = false} : vector<128x101xf32>, vector<128x101xf32>, vector<128x128xf32> -> vector<128x128xf32>
    %add3A_198 = vector.broadcast %get3A_36 : vector<1x128xf32> to vector<128x128xf32>
    %add3A_199 = arith.addf %dot_general3A_197, %add3A_198 : vector<128x128xf32>
    %max3A_200 = arith.constant 0.000000e+00 : f32
    %max3A_201 = vector.broadcast %max3A_200 : f32 to vector<128x128xf32>
    %max3A_202 = arith.maximumf %add3A_199, %max3A_201 : vector<128x128xf32>
    %swap3A_203 = arith.constant 0 : index
    %swap3A_204 = arith.constant 128 : index
    %swap3A_205 = arith.constant 0 : index
    %swap3A_206 = vector.load %arg4[%swap3A_203, %swap3A_204, %swap3A_205] : memref<1x512x128xf32, #tpu.memory_space<vmem>>, vector<1x128x128xf32>
    %swap3A_207 = vector.shape_cast %swap3A_206 : vector<1x128x128xf32> to vector<128x128xf32>
    %swap3A_208 = vector.shape_cast %max3A_202 : vector<128x128xf32> to vector<1x128x128xf32>
    tpu.vector_store %arg4[%swap3A_203, %swap3A_204, %swap3A_205], %swap3A_208 {strides = array<i32>} : memref<1x512x128xf32, #tpu.memory_space<vmem>>, vector<1x128x128xf32>,
    %get3A_209 = arith.constant 256 : index
    %get3A_210 = arith.constant 256 : index
    %get3A_211 = vector.load %arg5[%get3A_209, %get3A_210] : memref<512x640xf32, #tpu.memory_space<vmem>>, vector<128x256xf32>
    %iota3A_212 = tpu.iota {dimensions = array<i32: 0>} : vector<128x256xi32>
    %slice3A_213 = vector.extract_strided_slice %get3A_211 {offsets = [0, 1], sizes = [128, 255], strides = [1, 1]} : vector<128x256xf32> to vector<128x255xf32>
    %slice3A_214 = vector.extract_strided_slice %get3A_211 {offsets = [0, 0], sizes = [128, 1], strides = [1, 1]} : vector<128x256xf32> to vector<128x1xf32>
    %concatenate3A_215 = tpu.concatenate %slice3A_213, %slice3A_214 in 1 : vector<128x255xf32>, vector<128x1xf32> -> vector<128x256xf32>
    %and3A_216 = arith.constant 1 : i32
    %and3A_217 = vector.broadcast %and3A_216 : i32 to vector<128x256xi32>
    %and3A_218 = arith.andi %iota3A_212, %and3A_217 : vector<128x256xi32>
    %ne3A_219 = arith.constant 0 : i32
    %ne3A_220 = vector.broadcast %ne3A_219 : i32 to vector<128x256xi32>
    %ne3A_221 = arith.cmpi ne, %and3A_218, %ne3A_220 : vector<128x256xi32>
    %select_n3A_222 = arith.select %ne3A_221, %concatenate3A_215, %get3A_211 : vector<128x256xi1>, vector<128x256xf32>
    %slice3A_223 = vector.extract_strided_slice %select_n3A_222 {offsets = [0, 2], sizes = [128, 254], strides = [1, 1]} : vector<128x256xf32> to vector<128x254xf32>
    %slice3A_224 = vector.extract_strided_slice %select_n3A_222 {offsets = [0, 0], sizes = [128, 2], strides = [1, 1]} : vector<128x256xf32> to vector<128x2xf32>
    %concatenate3A_225 = tpu.concatenate %slice3A_223, %slice3A_224 in 1 : vector<128x254xf32>, vector<128x2xf32> -> vector<128x256xf32>
    %and3A_226 = arith.constant 2 : i32
    %and3A_227 = vector.broadcast %and3A_226 : i32 to vector<128x256xi32>
    %and3A_228 = arith.andi %iota3A_212, %and3A_227 : vector<128x256xi32>
    %ne3A_229 = arith.constant 0 : i32
    %ne3A_230 = vector.broadcast %ne3A_229 : i32 to vector<128x256xi32>
    %ne3A_231 = arith.cmpi ne, %and3A_228, %ne3A_230 : vector<128x256xi32>
    %select_n3A_232 = arith.select %ne3A_231, %concatenate3A_225, %select_n3A_222 : vector<128x256xi1>, vector<128x256xf32>
    %slice3A_233 = vector.extract_strided_slice %select_n3A_232 {offsets = [0, 4], sizes = [128, 252], strides = [1, 1]} : vector<128x256xf32> to vector<128x252xf32>
    %slice3A_234 = vector.extract_strided_slice %select_n3A_232 {offsets = [0, 0], sizes = [128, 4], strides = [1, 1]} : vector<128x256xf32> to vector<128x4xf32>
    %concatenate3A_235 = tpu.concatenate %slice3A_233, %slice3A_234 in 1 : vector<128x252xf32>, vector<128x4xf32> -> vector<128x256xf32>
    %and3A_236 = arith.constant 4 : i32
    %and3A_237 = vector.broadcast %and3A_236 : i32 to vector<128x256xi32>
    %and3A_238 = arith.andi %iota3A_212, %and3A_237 : vector<128x256xi32>
    %ne3A_239 = arith.constant 0 : i32
    %ne3A_240 = vector.broadcast %ne3A_239 : i32 to vector<128x256xi32>
    %ne3A_241 = arith.cmpi ne, %and3A_238, %ne3A_240 : vector<128x256xi32>
    %select_n3A_242 = arith.select %ne3A_241, %concatenate3A_235, %select_n3A_232 : vector<128x256xi1>, vector<128x256xf32>
    %slice3A_243 = vector.extract_strided_slice %select_n3A_242 {offsets = [0, 8], sizes = [128, 248], strides = [1, 1]} : vector<128x256xf32> to vector<128x248xf32>
    %slice3A_244 = vector.extract_strided_slice %select_n3A_242 {offsets = [0, 0], sizes = [128, 8], strides = [1, 1]} : vector<128x256xf32> to vector<128x8xf32>
    %concatenate3A_245 = tpu.concatenate %slice3A_243, %slice3A_244 in 1 : vector<128x248xf32>, vector<128x8xf32> -> vector<128x256xf32>
    %and3A_246 = arith.constant 8 : i32
    %and3A_247 = vector.broadcast %and3A_246 : i32 to vector<128x256xi32>
    %and3A_248 = arith.andi %iota3A_212, %and3A_247 : vector<128x256xi32>
    %ne3A_249 = arith.constant 0 : i32
    %ne3A_250 = vector.broadcast %ne3A_249 : i32 to vector<128x256xi32>
    %ne3A_251 = arith.cmpi ne, %and3A_248, %ne3A_250 : vector<128x256xi32>
    %select_n3A_252 = arith.select %ne3A_251, %concatenate3A_245, %select_n3A_242 : vector<128x256xi1>, vector<128x256xf32>
    %slice3A_253 = vector.extract_strided_slice %select_n3A_252 {offsets = [0, 16], sizes = [128, 240], strides = [1, 1]} : vector<128x256xf32> to vector<128x240xf32>
    %slice3A_254 = vector.extract_strided_slice %select_n3A_252 {offsets = [0, 0], sizes = [128, 16], strides = [1, 1]} : vector<128x256xf32> to vector<128x16xf32>
    %concatenate3A_255 = tpu.concatenate %slice3A_253, %slice3A_254 in 1 : vector<128x240xf32>, vector<128x16xf32> -> vector<128x256xf32>
    %and3A_256 = arith.constant 16 : i32
    %and3A_257 = vector.broadcast %and3A_256 : i32 to vector<128x256xi32>
    %and3A_258 = arith.andi %iota3A_212, %and3A_257 : vector<128x256xi32>
    %ne3A_259 = arith.constant 0 : i32
    %ne3A_260 = vector.broadcast %ne3A_259 : i32 to vector<128x256xi32>
    %ne3A_261 = arith.cmpi ne, %and3A_258, %ne3A_260 : vector<128x256xi32>
    %select_n3A_262 = arith.select %ne3A_261, %concatenate3A_255, %select_n3A_252 : vector<128x256xi1>, vector<128x256xf32>
    %slice3A_263 = vector.extract_strided_slice %select_n3A_262 {offsets = [0, 32], sizes = [128, 224], strides = [1, 1]} : vector<128x256xf32> to vector<128x224xf32>
    %slice3A_264 = vector.extract_strided_slice %select_n3A_262 {offsets = [0, 0], sizes = [128, 32], strides = [1, 1]} : vector<128x256xf32> to vector<128x32xf32>
    %concatenate3A_265 = tpu.concatenate %slice3A_263, %slice3A_264 in 1 : vector<128x224xf32>, vector<128x32xf32> -> vector<128x256xf32>
    %and3A_266 = arith.constant 32 : i32
    %and3A_267 = vector.broadcast %and3A_266 : i32 to vector<128x256xi32>
    %and3A_268 = arith.andi %iota3A_212, %and3A_267 : vector<128x256xi32>
    %ne3A_269 = arith.constant 0 : i32
    %ne3A_270 = vector.broadcast %ne3A_269 : i32 to vector<128x256xi32>
    %ne3A_271 = arith.cmpi ne, %and3A_268, %ne3A_270 : vector<128x256xi32>
    %select_n3A_272 = arith.select %ne3A_271, %concatenate3A_265, %select_n3A_262 : vector<128x256xi1>, vector<128x256xf32>
    %slice3A_273 = vector.extract_strided_slice %select_n3A_272 {offsets = [0, 64], sizes = [128, 192], strides = [1, 1]} : vector<128x256xf32> to vector<128x192xf32>
    %slice3A_274 = vector.extract_strided_slice %select_n3A_272 {offsets = [0, 0], sizes = [128, 64], strides = [1, 1]} : vector<128x256xf32> to vector<128x64xf32>
    %concatenate3A_275 = tpu.concatenate %slice3A_273, %slice3A_274 in 1 : vector<128x192xf32>, vector<128x64xf32> -> vector<128x256xf32>
    %and3A_276 = arith.constant 64 : i32
    %and3A_277 = vector.broadcast %and3A_276 : i32 to vector<128x256xi32>
    %and3A_278 = arith.andi %iota3A_212, %and3A_277 : vector<128x256xi32>
    %ne3A_279 = arith.constant 0 : i32
    %ne3A_280 = vector.broadcast %ne3A_279 : i32 to vector<128x256xi32>
    %ne3A_281 = arith.cmpi ne, %and3A_278, %ne3A_280 : vector<128x256xi32>
    %select_n3A_282 = arith.select %ne3A_281, %concatenate3A_275, %select_n3A_272 : vector<128x256xi1>, vector<128x256xf32>
    %slice3A_283 = vector.extract_strided_slice %select_n3A_282 {offsets = [0, 0], sizes = [128, 101], strides = [1, 1]} : vector<128x256xf32> to vector<128x101xf32>
    %dot_general3A_284 = arith.constant dense<0.000000e+00> : vector<128x128xf32>
    %dot_general3A_285 = tpu.matmul %slice3A_283, %get3A_33, %dot_general3A_284 {dimension_numbers = #tpu.dot_dimension_numbers<[1], [1], [0], [0], [0, 0, 1, 0], [], []>, transpose_lhs_hint = false} : vector<128x101xf32>, vector<128x101xf32>, vector<128x128xf32> -> vector<128x128xf32>
    %add3A_286 = vector.broadcast %get3A_36 : vector<1x128xf32> to vector<128x128xf32>
    %add3A_287 = arith.addf %dot_general3A_285, %add3A_286 : vector<128x128xf32>
    %max3A_288 = arith.constant 0.000000e+00 : f32
    %max3A_289 = vector.broadcast %max3A_288 : f32 to vector<128x128xf32>
    %max3A_290 = arith.maximumf %add3A_287, %max3A_289 : vector<128x128xf32>
    %swap3A_291 = arith.constant 0 : index
    %swap3A_292 = arith.constant 256 : index
    %swap3A_293 = arith.constant 0 : index
    %swap3A_294 = vector.load %arg4[%swap3A_291, %swap3A_292, %swap3A_293] : memref<1x512x128xf32, #tpu.memory_space<vmem>>, vector<1x128x128xf32>
    %swap3A_295 = vector.shape_cast %swap3A_294 : vector<1x128x128xf32> to vector<128x128xf32>
    %swap3A_296 = vector.shape_cast %max3A_290 : vector<128x128xf32> to vector<1x128x128xf32>
    tpu.vector_store %arg4[%swap3A_291, %swap3A_292, %swap3A_293], %swap3A_296 {strides = array<i32>} : memref<1x512x128xf32, #tpu.memory_space<vmem>>, vector<1x128x128xf32>,
    %get3A_297 = arith.constant 384 : index
    %get3A_298 = arith.constant 384 : index
    %get3A_299 = vector.load %arg5[%get3A_297, %get3A_298] : memref<512x640xf32, #tpu.memory_space<vmem>>, vector<128x256xf32>
    %iota3A_300 = tpu.iota {dimensions = array<i32: 0>} : vector<128x256xi32>
    %slice3A_301 = vector.extract_strided_slice %get3A_299 {offsets = [0, 1], sizes = [128, 255], strides = [1, 1]} : vector<128x256xf32> to vector<128x255xf32>
    %slice3A_302 = vector.extract_strided_slice %get3A_299 {offsets = [0, 0], sizes = [128, 1], strides = [1, 1]} : vector<128x256xf32> to vector<128x1xf32>
    %concatenate3A_303 = tpu.concatenate %slice3A_301, %slice3A_302 in 1 : vector<128x255xf32>, vector<128x1xf32> -> vector<128x256xf32>
    %and3A_304 = arith.constant 1 : i32
    %and3A_305 = vector.broadcast %and3A_304 : i32 to vector<128x256xi32>
    %and3A_306 = arith.andi %iota3A_300, %and3A_305 : vector<128x256xi32>
    %ne3A_307 = arith.constant 0 : i32
    %ne3A_308 = vector.broadcast %ne3A_307 : i32 to vector<128x256xi32>
    %ne3A_309 = arith.cmpi ne, %and3A_306, %ne3A_308 : vector<128x256xi32>
    %select_n3A_310 = arith.select %ne3A_309, %concatenate3A_303, %get3A_299 : vector<128x256xi1>, vector<128x256xf32>
    %slice3A_311 = vector.extract_strided_slice %select_n3A_310 {offsets = [0, 2], sizes = [128, 254], strides = [1, 1]} : vector<128x256xf32> to vector<128x254xf32>
    %slice3A_312 = vector.extract_strided_slice %select_n3A_310 {offsets = [0, 0], sizes = [128, 2], strides = [1, 1]} : vector<128x256xf32> to vector<128x2xf32>
    %concatenate3A_313 = tpu.concatenate %slice3A_311, %slice3A_312 in 1 : vector<128x254xf32>, vector<128x2xf32> -> vector<128x256xf32>
    %and3A_314 = arith.constant 2 : i32
    %and3A_315 = vector.broadcast %and3A_314 : i32 to vector<128x256xi32>
    %and3A_316 = arith.andi %iota3A_300, %and3A_315 : vector<128x256xi32>
    %ne3A_317 = arith.constant 0 : i32
    %ne3A_318 = vector.broadcast %ne3A_317 : i32 to vector<128x256xi32>
    %ne3A_319 = arith.cmpi ne, %and3A_316, %ne3A_318 : vector<128x256xi32>
    %select_n3A_320 = arith.select %ne3A_319, %concatenate3A_313, %select_n3A_310 : vector<128x256xi1>, vector<128x256xf32>
    %slice3A_321 = vector.extract_strided_slice %select_n3A_320 {offsets = [0, 4], sizes = [128, 252], strides = [1, 1]} : vector<128x256xf32> to vector<128x252xf32>
    %slice3A_322 = vector.extract_strided_slice %select_n3A_320 {offsets = [0, 0], sizes = [128, 4], strides = [1, 1]} : vector<128x256xf32> to vector<128x4xf32>
    %concatenate3A_323 = tpu.concatenate %slice3A_321, %slice3A_322 in 1 : vector<128x252xf32>, vector<128x4xf32> -> vector<128x256xf32>
    %and3A_324 = arith.constant 4 : i32
    %and3A_325 = vector.broadcast %and3A_324 : i32 to vector<128x256xi32>
    %and3A_326 = arith.andi %iota3A_300, %and3A_325 : vector<128x256xi32>
    %ne3A_327 = arith.constant 0 : i32
    %ne3A_328 = vector.broadcast %ne3A_327 : i32 to vector<128x256xi32>
    %ne3A_329 = arith.cmpi ne, %and3A_326, %ne3A_328 : vector<128x256xi32>
    %select_n3A_330 = arith.select %ne3A_329, %concatenate3A_323, %select_n3A_320 : vector<128x256xi1>, vector<128x256xf32>
    %slice3A_331 = vector.extract_strided_slice %select_n3A_330 {offsets = [0, 8], sizes = [128, 248], strides = [1, 1]} : vector<128x256xf32> to vector<128x248xf32>
    %slice3A_332 = vector.extract_strided_slice %select_n3A_330 {offsets = [0, 0], sizes = [128, 8], strides = [1, 1]} : vector<128x256xf32> to vector<128x8xf32>
    %concatenate3A_333 = tpu.concatenate %slice3A_331, %slice3A_332 in 1 : vector<128x248xf32>, vector<128x8xf32> -> vector<128x256xf32>
    %and3A_334 = arith.constant 8 : i32
    %and3A_335 = vector.broadcast %and3A_334 : i32 to vector<128x256xi32>
    %and3A_336 = arith.andi %iota3A_300, %and3A_335 : vector<128x256xi32>
    %ne3A_337 = arith.constant 0 : i32
    %ne3A_338 = vector.broadcast %ne3A_337 : i32 to vector<128x256xi32>
    %ne3A_339 = arith.cmpi ne, %and3A_336, %ne3A_338 : vector<128x256xi32>
    %select_n3A_340 = arith.select %ne3A_339, %concatenate3A_333, %select_n3A_330 : vector<128x256xi1>, vector<128x256xf32>
    %slice3A_341 = vector.extract_strided_slice %select_n3A_340 {offsets = [0, 16], sizes = [128, 240], strides = [1, 1]} : vector<128x256xf32> to vector<128x240xf32>
    %slice3A_342 = vector.extract_strided_slice %select_n3A_340 {offsets = [0, 0], sizes = [128, 16], strides = [1, 1]} : vector<128x256xf32> to vector<128x16xf32>
    %concatenate3A_343 = tpu.concatenate %slice3A_341, %slice3A_342 in 1 : vector<128x240xf32>, vector<128x16xf32> -> vector<128x256xf32>
    %and3A_344 = arith.constant 16 : i32
    %and3A_345 = vector.broadcast %and3A_344 : i32 to vector<128x256xi32>
    %and3A_346 = arith.andi %iota3A_300, %and3A_345 : vector<128x256xi32>
    %ne3A_347 = arith.constant 0 : i32
    %ne3A_348 = vector.broadcast %ne3A_347 : i32 to vector<128x256xi32>
    %ne3A_349 = arith.cmpi ne, %and3A_346, %ne3A_348 : vector<128x256xi32>
    %select_n3A_350 = arith.select %ne3A_349, %concatenate3A_343, %select_n3A_340 : vector<128x256xi1>, vector<128x256xf32>
    %slice3A_351 = vector.extract_strided_slice %select_n3A_350 {offsets = [0, 32], sizes = [128, 224], strides = [1, 1]} : vector<128x256xf32> to vector<128x224xf32>
    %slice3A_352 = vector.extract_strided_slice %select_n3A_350 {offsets = [0, 0], sizes = [128, 32], strides = [1, 1]} : vector<128x256xf32> to vector<128x32xf32>
    %concatenate3A_353 = tpu.concatenate %slice3A_351, %slice3A_352 in 1 : vector<128x224xf32>, vector<128x32xf32> -> vector<128x256xf32>
    %and3A_354 = arith.constant 32 : i32
    %and3A_355 = vector.broadcast %and3A_354 : i32 to vector<128x256xi32>
    %and3A_356 = arith.andi %iota3A_300, %and3A_355 : vector<128x256xi32>
    %ne3A_357 = arith.constant 0 : i32
    %ne3A_358 = vector.broadcast %ne3A_357 : i32 to vector<128x256xi32>
    %ne3A_359 = arith.cmpi ne, %and3A_356, %ne3A_358 : vector<128x256xi32>
    %select_n3A_360 = arith.select %ne3A_359, %concatenate3A_353, %select_n3A_350 : vector<128x256xi1>, vector<128x256xf32>
    %slice3A_361 = vector.extract_strided_slice %select_n3A_360 {offsets = [0, 64], sizes = [128, 192], strides = [1, 1]} : vector<128x256xf32> to vector<128x192xf32>
    %slice3A_362 = vector.extract_strided_slice %select_n3A_360 {offsets = [0, 0], sizes = [128, 64], strides = [1, 1]} : vector<128x256xf32> to vector<128x64xf32>
    %concatenate3A_363 = tpu.concatenate %slice3A_361, %slice3A_362 in 1 : vector<128x192xf32>, vector<128x64xf32> -> vector<128x256xf32>
    %and3A_364 = arith.constant 64 : i32
    %and3A_365 = vector.broadcast %and3A_364 : i32 to vector<128x256xi32>
    %and3A_366 = arith.andi %iota3A_300, %and3A_365 : vector<128x256xi32>
    %ne3A_367 = arith.constant 0 : i32
    %ne3A_368 = vector.broadcast %ne3A_367 : i32 to vector<128x256xi32>
    %ne3A_369 = arith.cmpi ne, %and3A_366, %ne3A_368 : vector<128x256xi32>
    %select_n3A_370 = arith.select %ne3A_369, %concatenate3A_363, %select_n3A_360 : vector<128x256xi1>, vector<128x256xf32>
    %slice3A_371 = vector.extract_strided_slice %select_n3A_370 {offsets = [0, 0], sizes = [128, 101], strides = [1, 1]} : vector<128x256xf32> to vector<128x101xf32>
    %dot_general3A_372 = arith.constant dense<0.000000e+00> : vector<128x128xf32>
    %dot_general3A_373 = tpu.matmul %slice3A_371, %get3A_33, %dot_general3A_372 {dimension_numbers = #tpu.dot_dimension_numbers<[1], [1], [0], [0], [0, 0, 1, 0], [], []>, transpose_lhs_hint = false} : vector<128x101xf32>, vector<128x101xf32>, vector<128x128xf32> -> vector<128x128xf32>
    %add3A_374 = vector.broadcast %get3A_36 : vector<1x128xf32> to vector<128x128xf32>
    %add3A_375 = arith.addf %dot_general3A_373, %add3A_374 : vector<128x128xf32>
    %max3A_376 = arith.constant 0.000000e+00 : f32
    %max3A_377 = vector.broadcast %max3A_376 : f32 to vector<128x128xf32>
    %max3A_378 = arith.maximumf %add3A_375, %max3A_377 : vector<128x128xf32>
    %swap3A_379 = arith.constant 0 : index
    %swap3A_380 = arith.constant 384 : index
    %swap3A_381 = arith.constant 0 : index
    %swap3A_382 = vector.load %arg4[%swap3A_379, %swap3A_380, %swap3A_381] : memref<1x512x128xf32, #tpu.memory_space<vmem>>, vector<1x128x128xf32>
    %swap3A_383 = vector.shape_cast %swap3A_382 : vector<1x128x128xf32> to vector<128x128xf32>
    %swap3A_384 = vector.shape_cast %max3A_378 : vector<128x128xf32> to vector<1x128x128xf32>
    tpu.vector_store %arg4[%swap3A_379, %swap3A_380, %swap3A_381], %swap3A_384 {strides = array<i32>} : memref<1x512x128xf32, #tpu.memory_space<vmem>>, vector<1x128x128xf32>,
    return
  }
  func.func @transform_0(%arg0: i32) -> (i32, i32, i32, i32, i32) {
    %c0_i32 = arith.constant 0 : i32
    %c0_i32_0 = arith.constant 0 : i32
    %c0_i32_1 = arith.constant 0 : i32
    %c0_i32_2 = arith.constant 0 : i32
    %c0_i32_3 = arith.constant 0 : i32
    return %arg0, %c0_i32, %c0_i32_0, %c0_i32_1, %c0_i32_2 : i32, i32, i32, i32, i32
  }
  func.func @transform_1(%arg0: i32) -> (i32, i32) {
    %c0_i32 = arith.constant 0 : i32
    %c0_i32_0 = arith.constant 0 : i32
    %c0_i32_1 = arith.constant 0 : i32
    return %c0_i32, %c0_i32_0 : i32, i32
  }
  func.func @transform_2(%arg0: i32) -> (i32, i32) {
    %c0_i32 = arith.constant 0 : i32
    %c0_i32_0 = arith.constant 0 : i32
    %c0_i32_1 = arith.constant 0 : i32
    return %c0_i32, %c0_i32_0 : i32, i32
  }
  func.func @transform_3(%arg0: i32) -> (i32, i32, i32) {
    %c0_i32 = arith.constant 0 : i32
    %c0_i32_0 = arith.constant 0 : i32
    %c0_i32_1 = arith.constant 0 : i32
    return %arg0, %c0_i32, %c0_i32_0 : i32, i32, i32
  }
}

</mosaic_0001>

<sc_bundles>
// kernel: kernel.4.cloned.1.call-start
scs
__scs_entry_jumppad:
0x0: {  	(pc) =	sbr.rel $0x88, $3  }
0x1: {  	(tag) =	ssettag $0x0;
	lr =	simm.s32 $0x1  }
0x2: {  	[smem:$0x3F9E] =	sst lr;
	_ =	strace $0xD0000000  }
0x3: {  	_ = 	snop  }
0x4: {  	_ = 	snop  }
0x5: {  	_ = 	snop  }
0x6: {  	_ = 	snop  }
0x7: {  	_ = 	snop  }
__scs_overlays_trampoline_lowered:
0x8: {  	[smem:$0x3FAD] =	sst s0  }
0x9: {  	[smem:$0x3FAE] =	sst s1  }
0xa: {  	[smem:$0x3FAF] =	sst s2  }
0xb: {  	[smem:$0x3FB0] =	sst s3  }
0xc: {  	[smem:$0x3FB1] =	sst s4  }
0xd: {  	[smem:$0x3FB2] =	sst s5  }
0xe: {  	[smem:$0x3FB3] =	sst s6  }
0xf: {  	[smem:$0x3FB4] =	sst s7  }
0x10: {  	[smem:$0x3FB5] =	sst s8  }
0x11: {  	[smem:$0x3FB6] =	sst s9;
	s0 =	simm.s32 @!p0 $0x0  }
0x12: {  	s1 =	sld [smem:$0x3F9C];
	s0 =	simm.s32 @p0 $0x1  }
0x13: {  	[smem:$0x3FB7] =	sst s0;
	s0 =	simm.s32 @!p1 $0x0  }
0x14: {  	s2 =	sld [smem:$0x3F9B];
	s0 =	simm.s32 @p1 $0x1  }
0x15: {  	[smem:$0x3FB8] =	sst s0;
	s0 =	simm.s32 @!p2 $0x0  }
0x16: {  	s3 =	sld [smem:$0x3FDB];
	s0 =	simm.s32 @p2 $0x1  }
0x17: {  	s4 =	simm.s32 $0x1BF5;
	[smem:$0x3FBA] =	sst s0  }
0x18: {  	s0 =	sld [smem:$0x3F9D];
	_ =	swait.ge [sflag:s4], $0x0  }
0x19: {  	s7 =	sld [smem:$0x3F9E]  }
0x1a: {  	s8 =	sadd.s32 $0xFFFFE003, lr  }
0x1b: {  	s9 =	sadd.s32 $0xFFFFFEF7, lr;
	s5 =	simm.s32 $0xFFFFFFFF;
	p2 =	slt.u32 s8, $0xFFFFF086  }
0x1c: {  	p1 =	slt.u32 s9, $0xF7A;
	s5 =	simm.s32 @!p2 $0x0  }
0x1d: {  	s5 =	simm.s32 @p1 $0x1;
	p0 =	seq.s32 s7, s2  }
0x1e: {  	s7 =	smul.u32 @!p0 $0xF7A, s2;
	p2 =	seq.s32 @!p0 s5, $0x0  }
0x1f: {  	s9 =	smul.u32 $0xF7A, s1;
	s8 =	simm.s32 @!p0 $0x1BF5;
	p2 =	por !p2, p0  }
0x20: {  	[sflag:s8] =	ssyncset.s32 @!p0 $0xFFFFF086;
	s6 =	sadd.s32 @!p0 s3, s7;
	s7 =	simm.s32 @!p0 $0x108  }
0x21: {  	s3 =	sadd.s32 s3, s9;
	s6 =	sadd.s32 @!p0 $0x88, s6;
	s7 =	simm.s32 @p2 $0x1082  }
0x22: {  	[simem:s7], [sflag:s8] =	dma.local @!p0 [hbm:s6], $0xF7A  }
0x23: {  	s9 =	sor.u32 $0xD0000000, s2;
	s6 =	simm.s32 $0x108;
	_ =	swait.ge @!p0 [sflag:s8], $0x0  }
0x24: {  	s3 =	sadd.s32 $0x88, s3;
	s6 =	simm.s32 @!p1 $0x1082;
	[sflag:s4] =	ssyncset.s32 $0xFFFFF086  }
0x25: {  	[simem:s6], [sflag:s4] =	dma.local [hbm:s3], $0xF7A  }
0x26: {  	[smem:$0x3F9E] =	sst s1;
	(tag) =	ssettag s2;
	_ =	strace s9  }
0x27: {  	s1 =	sld [smem:$0x3FAE]  }
0x28: {  	s2 =	sld [smem:$0x3FAF]  }
0x29: {  	s4 =	sld [smem:$0x3FB1]  }
0x2a: {  	p0 =	seq.s32 s5, $0x0;
	s5 =	sld [smem:$0x3FB2]  }
0x2b: {  	s6 =	sld [smem:$0x3FB3]  }
0x2c: {  	s7 =	sld [smem:$0x3FB4]  }
0x2d: {  	s3 =	simm.s32 $0x108;
	s8 =	sld [smem:$0x3FB5]  }
0x2e: {  	s3 =	simm.s32 @!p0 $0x1082;
	s9 =	sld [smem:$0x3FB6]  }
0x2f: {  	lr =	sadd.s32 s0, s3;
	s0 =	sld [smem:$0x3FAD]  }
0x30: {  	s3 =	sld [smem:$0x3FB0]  }
0x31: {  	[smem:$0x3FB9] =	sst s10  }
0x32: {  	s10 =	sld [smem:$0x3FB7];
	_ =	sdelay $0x3  }
0x33: {  	p0 =	seq.s32 s10, $0x1;
	s10 =	sld [smem:$0x3FB9];
	_ =	sdelay $0x3  }
0x34: {  	[smem:$0x3FB9] =	sst s10  }
0x35: {  	s10 =	sld [smem:$0x3FB8];
	_ =	sdelay $0x3  }
0x36: {  	p1 =	seq.s32 s10, $0x1;
	s10 =	sld [smem:$0x3FB9];
	_ =	sdelay $0x3  }
0x37: {  	[smem:$0x3FB9] =	sst s10  }
0x38: {  	s10 =	sld [smem:$0x3FBA]  }
0x39: {  	_ = 	snop;
	(pc) =	sbr.ind lr, $3  }
0x3a: {  	_ = 	snop  }
0x3b: {  	_ = 	snop  }
0x3c: {  	p2 =	seq.s32 s10, $0x1;
	s10 =	sld [smem:$0x3FB9]  }
0x3d: {  	_ =	shalt  }
0x3e: {  	_ =	shalt  }
0x3f: {  	_ =	shalt  }
0x40: {  	_ =	shalt  }
0x41: {  	_ =	shalt  }
0x42: {  	_ =	shalt  }
0x43: {  	_ =	shalt  }
0x44: {  	_ =	shalt  }
0x45: {  	_ =	shalt  }
0x46: {  	_ =	shalt  }
0x47: {  	_ =	shalt  }
0x48: {  	_ =	shalt  }
0x49: {  	_ =	shalt  }
0x4a: {  	_ =	shalt  }
0x4b: {  	_ =	shalt  }
0x4c: {  	_ =	shalt  }
0x4d: {  	_ =	shalt  }
0x4e: {  	_ =	shalt  }
0x4f: {  	_ =	shalt  }
0x50: {  	_ =	shalt  }
0x51: {  	_ =	shalt  }
0x52: {  	_ =	shalt  }
0x53: {  	_ =	shalt  }
0x54: {  	_ =	shalt  }
0x55: {  	_ =	shalt  }
0x56: {  	_ =	shalt  }
0x57: {  	_ =	shalt  }
0x58: {  	_ =	shalt  }
0x59: {  	_ =	shalt  }
0x5a: {  	_ =	shalt  }
0x5b: {  	_ =	shalt  }
0x5c: {  	_ =	shalt  }
0x5d: {  	_ =	shalt  }
0x5e: {  	_ =	shalt  }
0x5f: {  	_ =	shalt  }
0x60: {  	_ =	shalt  }
0x61: {  	_ =	shalt  }
0x62: {  	_ =	shalt  }
0x63: {  	_ =	shalt  }
0x64: {  	_ =	shalt  }
0x65: {  	_ =	shalt  }
0x66: {  	_ =	shalt  }
0x67: {  	_ =	shalt  }
0x68: {  	_ =	shalt  }
0x69: {  	_ =	shalt  }
0x6a: {  	_ =	shalt  }
0x6b: {  	_ =	shalt  }
0x6c: {  	_ =	shalt  }
0x6d: {  	_ =	shalt  }
0x6e: {  	_ =	shalt  }
0x6f: {  	_ =	shalt  }
0x70: {  	_ =	shalt  }
0x71: {  	_ =	shalt  }
0x72: {  	_ =	shalt  }
0x73: {  	_ =	shalt  }
0x74: {  	_ =	shalt  }
0x75: {  	_ =	shalt  }
0x76: {  	_ =	shalt  }
0x77: {  	_ =	shalt  }
0x78: {  	_ =	shalt  }
0x79: {  	_ =	shalt  }
0x7a: {  	_ =	shalt  }
0x7b: {  	_ =	shalt  }
0x7c: {  	_ =	shalt  }
0x7d: {  	_ =	shalt  }
0x7e: {  	_ =	shalt  }
0x7f: {  	_ =	shalt  }
0x80: {  	_ =	shalt  }
0x81: {  	_ =	shalt  }
0x82: {  	_ =	shalt  }
0x83: {  	_ =	shalt  }
0x84: {  	_ =	shalt  }
0x85: {  	_ =	shalt  }
0x86: {  	_ =	shalt  }
0x87: {  	_ =	shalt  }
.Lfunc_end0:
.L_simem_size_0:
called_computation_lowered:
.L_overlay_start_0:
0x88: {  	s2 =	sld [smem:$0x3FD9]  }
0x89: {  	s3 =	sld [smem:$0x3FFE];
	_ =	sdelay $0x1  }
0x8a: {  	s1 =	srdreg.scid  }
0x8b: {  	s0 =	sand.u32 $0x1, s1  }
0x8c: {  	s17 =	sshll.u32 s0, $0xA;
	s2 =	sadd.s32 s3, s2  }
0x8d: {  	s2 =	sadd.s32 s2, s17  }
0x8e: {  	[smem:$0x3FC5] =	sst s2  }
0x8f: {  	_ = 	snop  }
0x90: {  	s2 =	sld [smem:$0x3FC9];
	(tm) =	ssettm $0x1  }
0x91: {  	s18 =	sld [smem:$0x3FFB];
	_ =	sdelay $0x3  }
0x92: {  	_ =	strace s18  }
0x93: {  	s3 =	sld [smem:$0x3FFC];
	_ =	sdelay $0x3  }
0x94: {  	_ =	strace s3  }
0x95: {  	s3 =	sld [smem:$0x3FFD];
	_ =	sdelay $0x3  }
0x96: {  	_ =	strace s3  }
0x97: {  	_ =	strace $0x8FFFFFFF  }
0x98: {  	s19 =	sld [smem:$0x3FDB];
	_ =	sdelay $0x1  }
0x99: {  	s4 =	simm.s32 $_scs_section_size  }
0x9a: {  	s5 =	simm.s32 $_size__tile_overlayer_lowered;
	s6 =	simm.s32 $_tile_overlayer_lowered  }
0x9b: {  	s22 =	simm.s32 $0x1BFF;
	s21 =	sshll.u32 s6, $0x1;
	s3 =	sadd.s32 s4, s19  }
0x9c: {  	s7 =	simm.s32 $0x0;
	s20 =	sshll.u32 s5, $0x1;
	s5 =	sadd.s32 s21, s3  }
0x9d: {  	[timem:s7], [sflag:s22] =	dma.local [hbm:s5], s20  }
0x9e: {  	_ =	swait.ge [sflag:s22], s20  }
0x9f: {  	s4 =	ssub.s32 $0x0, s20;
	[sflag:s22] =	ssyncset.done $0x0  }
0xa0: {  	[sflag:s22] =	ssyncadd.s32 s4;
	_ =	sdelay $0x1  }
0xa1: {  	s23 =	simm.s32 $0x1B8B  }
0xa2: {  	_ =	swait.ge [sflag:s23], $0x1  }
0xa3: {  	[sflag:s23] =	ssyncset.done $0x0  }
0xa4: {  	s25 =	simm.s32 $0x1B8E;
	s24 =	sld [smem:$0x3FFE];
	[sflag:s23] =	ssyncadd.s32 $0xFFFFFFFF  }
0xa5: {  	s26 =	simm.s32 $execute0_lowered;
	[smem:$0x3FD2] =	sst s25  }
0xa6: {  	s5 =	sshll.u32 s26, $0x1;
	_ =	strace $0x80000046;
	[dreg:$0x1] =	wrdreg $0xFFFFFFFF  }
0xa7: {  	s28 =	simm.s32 $_size_execute0_lowered;
	s3 =	sadd.s32 s3, s5;
	[dreg:$0x0] =	wrdreg $0x0  }
0xa8: {  	s5 =	sshll.u32 s28, $0x1;
	[dreg:$0x2] =	wrdreg s3  }
0xa9: {  	[dreg:$0x3] =	wrdreg s5  }
0xaa: {  	[dreg:$0x4] =	wrdreg $0xC0  }
0xab: {  	_ =	task [dreg:s7], $0x5FFFF  }
0xac: {  	[dreg:$0x1] =	wrdreg $0xFFFFFFFF  }
0xad: {  	[dreg:$0x0] =	wrdreg $0x60  }
0xae: {  	[dreg:$0x2] =	wrdreg s2  }
0xaf: {  	[dreg:$0x3] =	wrdreg s24  }
0xb0: {  	[dreg:$0x4] =	wrdreg $0x9  }
0xb1: {  	_ =	task.clear_ibuf [dreg:s7], $0x5FFFF;
	_ =	strace $0x90000046  }
0xb2: {  	s29 =	simm.s32 $0x9;
	_ =	strace $0x80000048  }
0xb3: {  	_ =	swait.ge [sflag:s29], $0x1  }
0xb4: {  	[sflag:s29] =	ssyncadd.s32 $0xFFFFFFFF  }
0xb5: {  	_ =	strace $0x90000048  }
0xb6: {  	_ =	sfence  }
0xb7: {  	s30 =	sld [smem:$0x0];
	_ =	sdelay $0x2  }
0xb8: {  	s31 =	sshll.u32 s1, $0xD;
	s1 =	sshrl.u32 s1, $0x2  }
0xb9: {  	s3 =	sand.u32 $0x4000, s31;
	s1 =	sadd.s32 s1, s30  }
0xba: {  	s0 =	sor.u32 s3, s0;
	s1 =	sshll.u32 s1, $0x11  }
0xbb: {  	s0 =	sor.u32 s1, s0  }
0xbc: {  	s0 =	sadd.s32 $0x8F2B, s0  }
0xbd: {  	[sflag:s0] =	ssyncadd.remote.s32 $0x1  }
0xbe: {  	_ =	sfence.sel $0xFFFF  }
0xbf: {  	[dreg:$0x0] =	wrdreg $0xFFFFFFFF;
	(pc) =	sbr.abs _section_cstart, $3  }
0xc0: {  	[dreg:$0x1] =	wrdreg $0xFFFFFFFF  }
0xc1: {  	_ =	task.clear_ibuf [dreg:s7], $0x2FFFF;
	_ =	strace $0x9FFFFFFF  }
0xc2: {  	(tm) =	ssettm $0x7FFFFFFF  }
0xc3: {  	_ =	shalt  }
tec
execute0_lowered:
.L_overlay_start_1:
0x0: {  	(tag) =	ssettag $0x1  }
0x1: {  	s1 =	rddreg [dreg:$0x0]  }
0x2: {  	s0 =	rddreg [dreg:$0x1]  }
0x3: {  	s3 =	simm.s32 $0x0;
	s2 =	srdreg.scid;
	s7 =	stileid.u32  }
0x4: {  	s11 =	simm.s32 $0x1;
	s12 =	simm.s32 $0xC000;
	s13 =	simm.s32 $0x4  }
0x5: {  	s14 =	simm.s32 $0x3;
	s15 =	simm.s32 $0x2;
	s16 =	simm.s32 $0x0  }
0x6: {  	[smem:$0x7FF] =	sst s3;
	s2 =	sand.u32 $0x1, s2;
	s4 =	sshll.u32 s7, $0x4  }
0x7: {  	s8 =	sshll.u32 s7, $0xE;
	_ =	strace $0x80000047;
	s5 =	sshll.u32 s2, $0x5  }
0x8: {  	v0 =	vlaneseq.u32;
	s4 =	sand.u32 $0xC0, s4;
	s6 =	sshll.u32 s2, $0xD;
	s2 =	ssub.s32 $0x2, s2  }
.Ltmp0:
0x9: {  	v0 =	vmul.u32 $0x200, v0;
	s4 =	sor.u32 s5, s4;
	s0 =	sadd.s32 s6, s0;
	(pc) =	sbr.rel .LBB2_1-.Ltmp0, $4  }
0xa: {  	s29 =	sshrl.u32 s2, $0x1;
	s30 =	smul.u32 $0x60, s4;
	s0 =	sadd.s32 s8, s0  }
0xb: {  	v1 =	vimm.s32 $0x0;
	v2 =	vimm.s32 $0x1;
	s5 =	sand.u32 $0x3, s7;
	v3 =	vor.u32 $0x2000, v0;
	s2 =	ssub.s32 s2, s29;
	s0 =	sadd.s32 $0x800, s0  }
0xc: {  	v4 =	vor.u32 $0x4000, v0;
	v5 =	vor.u32 $0x6000, v0;
	v6 =	vor.u32 $0x8000, v0;
	s31 =	smax.u32 s2, $0x1;
	s6 =	sor.u32 s5, s30;
	[dreg:$0x5] =	wrdreg s0  }
0xd: {  	s7 =	sadd.s32 $0x800, s1;
	v7 =	vor.u32 $0xA000, v0;
	v8 =	vor.u32 $0xC000, v0;
	v9 =	vor.u32 $0xE000, v0;
	[dreg:$0x6] =	wrdreg s31;
	s8 =	sor.u32 $0x60, s6  }
.LBB2_34:
0xe: {  	s0 =	rddreg [dreg:$0x5]  }
0xf: {  	[hbm4b:s0+s3] =	stream.linear.scatter [tilespmem:s12], [sflag:$0x4], $0x10000, $0x38;
	[tilespmem:$0x1C000] =	vst v63  }
0x10: {  	_ =	swait.ge [sflag:s13], $0x10000  }
0x11: {  	s16 =	sadd.s32 $0x1, s16;
	s31 =	rddreg [dreg:$0x6]  }
0x12: {  	p0 =	sne.s32 s16, s31  }
.Ltmp1:
0x13: {  	_ = 	snop;
	(pc) =	sbr.rel @!p0 .LBB2_35-.Ltmp1, $3  }
0x14: {  	_ =	sdelay $0x1  }
0x15: {  	[sflag:s13] =	ssyncset.done $0x0  }
0x16: {  	[sflag:s13] =	ssyncadd.s32 $0xFFFF0000  }
.LBB2_1:
0x17: {  	s17 =	simm.s32 $0xC040  }
0x18: {  	[tilespmem:s17+$0xFFFFFFC0] =	vst v1  }
0x19: {  	[tilespmem:s17+$0x30] =	vst v1  }
0x1a: {  	[tilespmem:s17+$0x20] =	vst v1  }
0x1b: {  	[tilespmem:s17+$0x10] =	vst v1  }
0x1c: {  	[tilespmem:s17+$0x0] =	vst v1  }
0x1d: {  	[tilespmem:s17+$0xFFFFFFF0] =	vst v1  }
0x1e: {  	s0 =	simm.s32 $0x0;
	[tilespmem:s17+$0xFFFFFFE0] =	vst v1  }
.LBB2_2:
0x1f: {  	s0 =	sadd.s32 $0x8, s0;
	[tilespmem:s17+$0xFFFFFFD0] =	vst v1;
	s17 =	sadd.s32 $0x80, s17  }
0x20: {  	[tilespmem:s17+$0xFFFFFFC0] =	vst v1;
	p0 =	slt.u32 s0, $0xFF8  }
0x21: {  	[tilespmem:s17+$0x30] =	vst v1  }
.Ltmp2:
0x22: {  	[tilespmem:s17+$0x20] =	vst v1;
	(pc) =	sbr.rel @p0 .LBB2_2-.Ltmp2, $4  }
0x23: {  	[tilespmem:s17+$0x10] =	vst v1  }
0x24: {  	[tilespmem:s17+$0x0] =	vst v1  }
0x25: {  	[tilespmem:s17+$0xFFFFFFF0] =	vst v1  }
0x26: {  	[tilespmem:s17+$0xFFFFFFE0] =	vst v1  }
0x27: {  	s18 =	simm.s32 $0x0  }
0x28: {  	s0 =	sand.u32 $0xC, s18;
	s2 =	sand.u32 $0x60, s18  }
0x29: {  	s0 =	sor.u32 s0, s2  }
0x2a: {  	s0 =	sor.u32 s6, s0  }
0x2b: {  	s19 =	sand.u32 $0x2000, s18;
	s21 =	sand.u32 $0x380, s18;
	s0 =	sshll.u32 s0, $0x7  }
0x2c: {  	s22 =	sor.u32 s21, s19;
	s20 =	sand.u32 $0x3FF780, s0  }
0x2d: {  	[tilespmem:s17+$0xFFFFFFD0] =	vst v1;
	s28 =	simm.s32 $0x4;
	s24 =	sor.u32 $0x400, s22;
	s23 =	sadd.s32 s1, s20  }
0x2e: {  	[tilespmem:s22], [sflag:$0x1] =	stream.linear.gather [hbm4b:s23+s18], $0x80, $0x38;
	[tilespmem:$0x1C000] =	vst v63  }
0x2f: {  	s26 =	sor.u32 $0x800, s22;
	s31 =	sor.u32 $0xC00, s22;
	s17 =	sadd.s32 $0x10, s23  }
0x30: {  	[tilespmem:s24], [sflag:$0x1] =	stream.linear.gather [hbm4b:s17+s18], $0x80, $0x38;
	[tilespmem:$0x1C000] =	vst v63  }
0x31: {  	s10 =	sor.u32 $0x1000, s22;
	s29 =	sor.u32 $0x1800, s22;
	s25 =	sadd.s32 $0x20, s23  }
0x32: {  	[tilespmem:s26], [sflag:$0x1] =	stream.linear.gather [hbm4b:s25+s18], $0x80, $0x38;
	[tilespmem:$0x1C000] =	vst v63  }
0x33: {  	s0 =	simm.s32 $0x8;
	s30 =	sadd.s32 $0x30, s23;
	s9 =	sadd.s32 $0x40, s23  }
0x34: {  	[tilespmem:s31], [sflag:$0x1] =	stream.linear.gather [hbm4b:s30+s18], $0x80, $0x38;
	[tilespmem:$0x1C000] =	vst v63  }
0x35: {  	s2 =	sadd.s32 $0x60, s23;
	s24 =	simm.s32 $0x400;
	s17 =	sand.u32 $0x60, s0  }
0x36: {  	[tilespmem:s10], [sflag:$0x1] =	stream.linear.gather [hbm4b:s9+s18], $0x80, $0x38;
	[tilespmem:$0x1C000] =	vst v63  }
0x37: {  	s26 =	sor.u32 $0x1400, s22;
	s30 =	sadd.s32 $0x50, s23;
	s31 =	sand.u32 $0xC, s28  }
0x38: {  	[tilespmem:s26], [sflag:$0x1] =	stream.linear.gather [hbm4b:s30+s18], $0x80, $0x38;
	[tilespmem:$0x1C000] =	vst v63  }
0x39: {  	s25 =	simm.s32 $0x10;
	s0 =	sor.u32 s31, s17;
	s26 =	simm.s32 $0x80  }
.LBB2_4:
0x3a: {  	[tilespmem:s29], [sflag:$0x1] =	stream.linear.gather [hbm4b:s2+s18], $0x80, $0x38;
	[tilespmem:$0x1C000] =	vst v63  }
0x3b: {  	s2 =	smov.u32 s25  }
0x3c: {  	p0 =	sne.s32 s25, $0x58;
	s25 =	sadd.s32 $0x8, s25;
	s0 =	sor.u32 s6, s0  }
0x3d: {  	s23 =	sadd.s32 $0x70, s23;
	s22 =	sor.u32 $0x1C00, s22;
	s0 =	sshll.u32 s0, $0x7  }
0x3e: {  	s29 =	sand.u32 $0x2000, s24;
	s30 =	sand.u32 $0x380, s26;
	s0 =	sand.u32 $0x3FF780, s0  }
0x3f: {  	[tilespmem:s22], [sflag:$0x1] =	stream.linear.gather [hbm4b:s23+s18], $0x80, $0x38;
	[tilespmem:$0x1C000] =	vst v63  }
0x40: {  	s24 =	sadd.s32 $0x400, s24;
	s22 =	sor.u32 s30, s29;
	s23 =	sadd.s32 s1, s0  }
0x41: {  	[tilespmem:s22], [sflag:$0x1] =	stream.linear.gather [hbm4b:s23+s18], $0x80, $0x38;
	[tilespmem:$0x1C000] =	vst v63  }
0x42: {  	s26 =	sadd.s32 $0x80, s26;
	s0 =	sadd.s32 $0x10, s23;
	s29 =	sor.u32 $0x400, s22  }
0x43: {  	[tilespmem:s29], [sflag:$0x1] =	stream.linear.gather [hbm4b:s0+s18], $0x80, $0x38;
	[tilespmem:$0x1C000] =	vst v63  }
0x44: {  	s28 =	sadd.s32 $0x4, s28;
	s0 =	sadd.s32 $0x20, s23;
	s29 =	sor.u32 $0x800, s22  }
0x45: {  	[tilespmem:s29], [sflag:$0x1] =	stream.linear.gather [hbm4b:s0+s18], $0x80, $0x38;
	[tilespmem:$0x1C000] =	vst v63  }
0x46: {  	s30 =	sor.u32 $0x1400, s22;
	s0 =	sadd.s32 $0x30, s23;
	s29 =	sor.u32 $0xC00, s22  }
0x47: {  	[tilespmem:s29], [sflag:$0x1] =	stream.linear.gather [hbm4b:s0+s18], $0x80, $0x38;
	[tilespmem:$0x1C000] =	vst v63  }
.Ltmp3:
0x48: {  	s0 =	sadd.s32 $0x40, s23;
	s29 =	sor.u32 $0x1000, s22;
	(pc) =	sbr.rel @p0 .LBB2_4-.Ltmp3, $4  }
0x49: {  	[tilespmem:s29], [sflag:$0x1] =	stream.linear.gather [hbm4b:s0+s18], $0x80, $0x38;
	[tilespmem:$0x1C000] =	vst v63  }
0x4a: {  	s2 =	sand.u32 $0x60, s2;
	s0 =	sand.u32 $0xC, s28;
	s29 =	sadd.s32 $0x50, s23  }
0x4b: {  	[tilespmem:s30], [sflag:$0x1] =	stream.linear.gather [hbm4b:s29+s18], $0x80, $0x38;
	[tilespmem:$0x1C000] =	vst v63  }
0x4c: {  	s0 =	sor.u32 s0, s2;
	s2 =	sadd.s32 $0x60, s23;
	s29 =	sor.u32 $0x1800, s22  }
0x4d: {  	[tilespmem:s29], [sflag:$0x1] =	stream.linear.gather [hbm4b:s2+s18], $0x80, $0x38;
	[tilespmem:$0x1C000] =	vst v63  }
0x4e: {  	s0 =	sor.u32 s6, s0  }
0x4f: {  	s30 =	sadd.s32 $0x70, s23;
	s22 =	sor.u32 $0x1C00, s22;
	s0 =	sshll.u32 s0, $0x7  }
0x50: {  	s31 =	sand.u32 $0x2000, s24;
	s9 =	sand.u32 $0x380, s26;
	s0 =	sand.u32 $0x3FF780, s0  }
0x51: {  	[tilespmem:s22], [sflag:$0x1] =	stream.linear.gather [hbm4b:s30+s18], $0x80, $0x38;
	[tilespmem:$0x1C000] =	vst v63  }
0x52: {  	s2 =	sor.u32 s9, s31;
	s0 =	sadd.s32 s1, s0  }
0x53: {  	[tilespmem:s2], [sflag:$0x1] =	stream.linear.gather [hbm4b:s0+s18], $0x80, $0x38;
	[tilespmem:$0x1C000] =	vst v63  }
0x54: {  	s23 =	sor.u32 $0x400, s2;
	s10 =	sadd.s32 $0x10, s0  }
0x55: {  	[tilespmem:s23], [sflag:$0x1] =	stream.linear.gather [hbm4b:s10+s18], $0x80, $0x38;
	[tilespmem:$0x1C000] =	vst v63  }
0x56: {  	s24 =	sor.u32 $0x800, s2;
	s23 =	sadd.s32 $0x20, s0  }
0x57: {  	[tilespmem:s24], [sflag:$0x1] =	stream.linear.gather [hbm4b:s23+s18], $0x80, $0x38;
	[tilespmem:$0x1C000] =	vst v63  }
0x58: {  	s26 =	sor.u32 $0xC00, s2;
	s25 =	sadd.s32 $0x30, s0  }
0x59: {  	[tilespmem:s26], [sflag:$0x1] =	stream.linear.gather [hbm4b:s25+s18], $0x80, $0x38;
	[tilespmem:$0x1C000] =	vst v63  }
0x5a: {  	s29 =	sor.u32 $0x1000, s2;
	s28 =	sadd.s32 $0x40, s0  }
0x5b: {  	[tilespmem:s29], [sflag:$0x1] =	stream.linear.gather [hbm4b:s28+s18], $0x80, $0x38;
	[tilespmem:$0x1C000] =	vst v63  }
0x5c: {  	s30 =	sor.u32 $0x1400, s2;
	s31 =	sadd.s32 $0x50, s0  }
0x5d: {  	[tilespmem:s30], [sflag:$0x1] =	stream.linear.gather [hbm4b:s31+s18], $0x80, $0x38;
	[tilespmem:$0x1C000] =	vst v63  }
0x5e: {  	s9 =	sadd.s32 $0x60, s0;
	s10 =	sor.u32 $0x1800, s2;
	s24 =	sor.u32 s21, s19  }
0x5f: {  	[tilespmem:s10], [sflag:$0x1] =	stream.linear.gather [hbm4b:s9+s18], $0x80, $0x38;
	[tilespmem:$0x1C000] =	vst v63  }
0x60: {  	s0 =	sadd.s32 $0x70, s0;
	s2 =	sor.u32 $0x1C00, s2;
	s19 =	sor.u32 $0x4400, s24  }
0x61: {  	[tilespmem:s2], [sflag:$0x1] =	stream.linear.gather [hbm4b:s0+s18], $0x80, $0x38;
	[tilespmem:$0x1C000] =	vst v63  }
0x62: {  	s31 =	sor.u32 $0x4000, s24;
	s9 =	sadd.s32 s20, s7;
	s18 =	simm.s32 $0x0  }
0x63: {  	[tilespmem:s31], [sflag:$0x2] =	stream.linear.gather [hbm4b:s9+s18], $0x80, $0x38;
	[tilespmem:$0x1C000] =	vst v63  }
0x64: {  	s21 =	sor.u32 $0x4800, s24;
	s23 =	sor.u32 $0x4C00, s24;
	s10 =	sadd.s32 $0x10, s9  }
0x65: {  	[tilespmem:s19], [sflag:$0x2] =	stream.linear.gather [hbm4b:s10+s18], $0x80, $0x38;
	[tilespmem:$0x1C000] =	vst v63  }
0x66: {  	s26 =	sor.u32 $0x5000, s24;
	s29 =	sor.u32 $0x5400, s24;
	s20 =	sadd.s32 $0x20, s9  }
0x67: {  	[tilespmem:s21], [sflag:$0x2] =	stream.linear.gather [hbm4b:s20+s18], $0x80, $0x38;
	[tilespmem:$0x1C000] =	vst v63  }
0x68: {  	s22 =	sadd.s32 $0x30, s9;
	s25 =	sadd.s32 $0x40, s9;
	s28 =	sadd.s32 $0x50, s9  }
0x69: {  	[tilespmem:s23], [sflag:$0x2] =	stream.linear.gather [hbm4b:s22+s18], $0x80, $0x38;
	[tilespmem:$0x1C000] =	vst v63  }
0x6a: {  	s30 =	sadd.s32 $0x60, s9;
	s2 =	sadd.s32 $0x70, s9;
	s31 =	sor.u32 $0x5800, s24  }
0x6b: {  	[tilespmem:s26], [sflag:$0x2] =	stream.linear.gather [hbm4b:s25+s18], $0x80, $0x38;
	[tilespmem:$0x1C000] =	vst v63  }
0x6c: {  	s19 =	simm.s32 $0x400;
	s21 =	simm.s32 $0x10;
	s22 =	simm.s32 $0x4  }
0x6d: {  	[tilespmem:s29], [sflag:$0x2] =	stream.linear.gather [hbm4b:s28+s18], $0x80, $0x38;
	[tilespmem:$0x1C000] =	vst v63  }
0x6e: {  	s20 =	simm.s32 $0x80;
	s23 =	sor.u32 $0x5C00, s24;
	s0 =	sand.u32 $0xC, s22  }
0x6f: {  	[tilespmem:s31], [sflag:$0x2] =	stream.linear.gather [hbm4b:s30+s18], $0x80, $0x38;
	[tilespmem:$0x1C000] =	vst v63  }
.LBB2_6:
0x70: {  	[tilespmem:s23], [sflag:$0x2] =	stream.linear.gather [hbm4b:s2+s18], $0x80, $0x38;
	[tilespmem:$0x1C000] =	vst v63  }
0x71: {  	s2 =	smov.u32 s21  }
0x72: {  	p0 =	sne.s32 s21, $0x58;
	s21 =	sadd.s32 $0x8, s21;
	s0 =	sor.u32 s0, s17  }
0x73: {  	s0 =	sor.u32 s6, s0  }
0x74: {  	s17 =	sand.u32 $0x2000, s19;
	s23 =	sand.u32 $0x380, s20;
	s0 =	sshll.u32 s0, $0x7  }
0x75: {  	s17 =	sor.u32 s23, s17;
	s0 =	sand.u32 $0x3FF780, s0  }
0x76: {  	s23 =	sor.u32 $0x4000, s17;
	s24 =	sadd.s32 s0, s7  }
0x77: {  	[tilespmem:s23], [sflag:$0x2] =	stream.linear.gather [hbm4b:s24+s18], $0x80, $0x38;
	[tilespmem:$0x1C000] =	vst v63  }
0x78: {  	s0 =	sadd.s32 $0x10, s24;
	s23 =	sor.u32 $0x4400, s17  }
0x79: {  	[tilespmem:s23], [sflag:$0x2] =	stream.linear.gather [hbm4b:s0+s18], $0x80, $0x38;
	[tilespmem:$0x1C000] =	vst v63  }
0x7a: {  	s19 =	sadd.s32 $0x400, s19;
	s0 =	sadd.s32 $0x20, s24;
	s23 =	sor.u32 $0x4800, s17  }
0x7b: {  	[tilespmem:s23], [sflag:$0x2] =	stream.linear.gather [hbm4b:s0+s18], $0x80, $0x38;
	[tilespmem:$0x1C000] =	vst v63  }
0x7c: {  	s20 =	sadd.s32 $0x80, s20;
	s0 =	sadd.s32 $0x30, s24;
	s23 =	sor.u32 $0x4C00, s17  }
0x7d: {  	[tilespmem:s23], [sflag:$0x2] =	stream.linear.gather [hbm4b:s0+s18], $0x80, $0x38;
	[tilespmem:$0x1C000] =	vst v63  }
0x7e: {  	s22 =	sadd.s32 $0x4, s22;
	s0 =	sadd.s32 $0x40, s24;
	s23 =	sor.u32 $0x5000, s17  }
0x7f: {  	[tilespmem:s23], [sflag:$0x2] =	stream.linear.gather [hbm4b:s0+s18], $0x80, $0x38;
	[tilespmem:$0x1C000] =	vst v63  }
.Ltmp4:
0x80: {  	s0 =	sadd.s32 $0x50, s24;
	s23 =	sor.u32 $0x5400, s17;
	(pc) =	sbr.rel @p0 .LBB2_6-.Ltmp4, $4  }
0x81: {  	[tilespmem:s23], [sflag:$0x2] =	stream.linear.gather [hbm4b:s0+s18], $0x80, $0x38;
	[tilespmem:$0x1C000] =	vst v63  }
0x82: {  	s25 =	sor.u32 $0x5800, s17;
	s0 =	sadd.s32 $0x60, s24;
	s23 =	sor.u32 $0x5C00, s17  }
0x83: {  	[tilespmem:s25], [sflag:$0x2] =	stream.linear.gather [hbm4b:s0+s18], $0x80, $0x38;
	[tilespmem:$0x1C000] =	vst v63  }
0x84: {  	s17 =	sand.u32 $0x60, s2;
	s2 =	sadd.s32 $0x70, s24;
	s0 =	sand.u32 $0xC, s22  }
0x85: {  	[tilespmem:s23], [sflag:$0x2] =	stream.linear.gather [hbm4b:s2+s18], $0x80, $0x38;
	[tilespmem:$0x1C000] =	vst v63  }
0x86: {  	s0 =	sor.u32 s0, s17  }
0x87: {  	s0 =	sor.u32 s6, s0  }
0x88: {  	s31 =	sand.u32 $0x2000, s19;
	s9 =	sand.u32 $0x380, s20;
	s0 =	sshll.u32 s0, $0x7  }
0x89: {  	s2 =	sor.u32 s9, s31;
	s0 =	sand.u32 $0x3FF780, s0  }
0x8a: {  	s17 =	simm.s32 $0x0;
	s10 =	sor.u32 $0x4000, s2;
	s0 =	sadd.s32 s0, s7  }
0x8b: {  	[tilespmem:s10], [sflag:$0x2] =	stream.linear.gather [hbm4b:s0+s17], $0x80, $0x38;
	[tilespmem:$0x1C000] =	vst v63  }
0x8c: {  	s20 =	sor.u32 $0x4400, s2;
	s19 =	sadd.s32 $0x10, s0  }
0x8d: {  	[tilespmem:s20], [sflag:$0x2] =	stream.linear.gather [hbm4b:s19+s17], $0x80, $0x38;
	[tilespmem:$0x1C000] =	vst v63  }
0x8e: {  	s22 =	sor.u32 $0x4800, s2;
	s21 =	sadd.s32 $0x20, s0  }
0x8f: {  	[tilespmem:s22], [sflag:$0x2] =	stream.linear.gather [hbm4b:s21+s17], $0x80, $0x38;
	[tilespmem:$0x1C000] =	vst v63  }
0x90: {  	s24 =	sor.u32 $0x4C00, s2;
	s23 =	sadd.s32 $0x30, s0  }
0x91: {  	[tilespmem:s24], [sflag:$0x2] =	stream.linear.gather [hbm4b:s23+s17], $0x80, $0x38;
	[tilespmem:$0x1C000] =	vst v63  }
0x92: {  	s26 =	sor.u32 $0x5000, s2;
	s25 =	sadd.s32 $0x40, s0  }
0x93: {  	[tilespmem:s26], [sflag:$0x2] =	stream.linear.gather [hbm4b:s25+s17], $0x80, $0x38;
	[tilespmem:$0x1C000] =	vst v63  }
0x94: {  	p1 =	por $0x1, $0x1;
	s29 =	sor.u32 $0x5400, s2;
	s28 =	sadd.s32 $0x50, s0  }
0x95: {  	[tilespmem:s29], [sflag:$0x2] =	stream.linear.gather [hbm4b:s28+s17], $0x80, $0x38;
	[tilespmem:$0x1C000] =	vst v63  }
.Ltmp5:
0x96: {  	p0 =	por $0x0, $0x0;
	s31 =	sor.u32 $0x5800, s2;
	(pc) =	sbr.rel @!p1 .LBB2_8-.Ltmp5, $4  }
0x97: {  	s2 =	sor.u32 $0x5C00, s2;
	s30 =	sadd.s32 $0x60, s0;
	s0 =	sadd.s32 $0x70, s0  }
0x98: {  	[tilespmem:s31], [sflag:$0x2] =	stream.linear.gather [hbm4b:s30+s17], $0x80, $0x38;
	[tilespmem:$0x1C000] =	vst v63  }
0x99: {  	s23 =	sand.u32 $0x2000, s17;
	s25 =	simm.s32 $0x8;
	s26 =	sand.u32 $0x60, s17  }
0x9a: {  	[tilespmem:s2], [sflag:$0x2] =	stream.linear.gather [hbm4b:s0+s17], $0x80, $0x38;
	[tilespmem:$0x1C000] =	vst v63  }
0x9b: {  	s0 =	sadd.s32 s26, s8  }
0x9c: {  	s2 =	sand.u32 $0xC, s17;
	s18 =	sand.u32 $0x380, s17;
	s24 =	simm.s32 $0x10  }
0x9d: {  	p1 =	por $0x1, $0x1;
	s0 =	sor.u32 s2, s0;
	s18 =	sor.u32 s18, s23  }
0x9e: {  	p0 =	por $0x1, $0x1;
	s0 =	sshll.u32 s0, $0x7;
	s20 =	sor.u32 $0x8000, s18  }
0x9f: {  	s21 =	sor.u32 $0x8400, s18;
	s23 =	sor.u32 $0x8800, s18;
	s19 =	sadd.s32 s1, s0  }
0xa0: {  	[tilespmem:s20], [sflag:$0x3] =	stream.linear.gather [hbm4b:s19+s17], $0x80, $0x38;
	[tilespmem:$0x1C000] =	vst v63  }
0xa1: {  	s29 =	sor.u32 $0x8C00, s18;
	s31 =	sor.u32 $0x9000, s18;
	s0 =	sadd.s32 $0x10, s19  }
0xa2: {  	[tilespmem:s21], [sflag:$0x3] =	stream.linear.gather [hbm4b:s0+s17], $0x80, $0x38;
	[tilespmem:$0x1C000] =	vst v63  }
0xa3: {  	s20 =	simm.s32 $0x80;
	s22 =	sadd.s32 $0x20, s19;
	s26 =	sadd.s32 $0x30, s19  }
0xa4: {  	[tilespmem:s23], [sflag:$0x3] =	stream.linear.gather [hbm4b:s22+s17], $0x80, $0x38;
	[tilespmem:$0x1C000] =	vst v63  }
.Ltmp6:
0xa5: {  	s30 =	sadd.s32 $0x40, s19;
	s28 =	sadd.s32 $0x50, s19;
	(pc) =	sbr.rel @!p1 .LBB2_11-.Ltmp6, $4  }
0xa6: {  	s21 =	simm.s32 $0x4;
	s0 =	sor.u32 $0x9400, s18;
	s22 =	simm.s32 $0x400  }
0xa7: {  	[tilespmem:s29], [sflag:$0x3] =	stream.linear.gather [hbm4b:s26+s17], $0x80, $0x38;
	[tilespmem:$0x1C000] =	vst v63  }
0xa8: {  	s23 =	sand.u32 $0x2000, s22;
	s26 =	sand.u32 $0x60, s25;
	s25 =	sadd.s32 $0x60, s19  }
0xa9: {  	[tilespmem:s31], [sflag:$0x3] =	stream.linear.gather [hbm4b:s30+s17], $0x80, $0x38;
	[tilespmem:$0x1C000] =	vst v63  }
.LBB2_10:
0xaa: {  	[tilespmem:s0], [sflag:$0x3] =	stream.linear.gather [hbm4b:s28+s17], $0x80, $0x38;
	[tilespmem:$0x1C000] =	vst v63  }
0xab: {  	s0 =	smov.u32 s24;
	s2 =	sand.u32 $0x380, s20  }
0xac: {  	s26 =	sadd.s32 s26, s8;
	s28 =	sand.u32 $0xC, s21;
	s29 =	sor.u32 $0x9C00, s18  }
0xad: {  	s19 =	sadd.s32 $0x70, s19;
	s26 =	sor.u32 s28, s26;
	s28 =	sor.u32 $0x9800, s18  }
0xae: {  	[tilespmem:s28], [sflag:$0x3] =	stream.linear.gather [hbm4b:s25+s17], $0x80, $0x38;
	[tilespmem:$0x1C000] =	vst v63  }
0xaf: {  	p1 =	sne.s32 s24, $0x58;
	s18 =	sor.u32 s2, s23;
	s2 =	sshll.u32 s26, $0x7  }
0xb0: {  	[tilespmem:s29], [sflag:$0x3] =	stream.linear.gather [hbm4b:s19+s17], $0x80, $0x38;
	[tilespmem:$0x1C000] =	vst v63  }
0xb1: {  	s23 =	sor.u32 $0x8000, s18;
	s29 =	sadd.s32 $0x8, s24;
	s19 =	sadd.s32 s1, s2  }
0xb2: {  	s20 =	sadd.s32 $0x80, s20;
	s21 =	sadd.s32 $0x4, s21;
	s2 =	sadd.s32 $0x10, s19  }
0xb3: {  	[tilespmem:s23], [sflag:$0x3] =	stream.linear.gather [hbm4b:s19+s17], $0x80, $0x38;
	[tilespmem:$0x1C000] =	vst v63  }
0xb4: {  	s22 =	sadd.s32 $0x400, s22;
	s24 =	sadd.s32 $0x20, s19;
	s23 =	sor.u32 $0x8400, s18  }
0xb5: {  	[tilespmem:s23], [sflag:$0x3] =	stream.linear.gather [hbm4b:s2+s17], $0x80, $0x38;
	[tilespmem:$0x1C000] =	vst v63  }
0xb6: {  	s26 =	sand.u32 $0x60, s0;
	s2 =	sor.u32 $0x8800, s18;
	s23 =	sadd.s32 $0x30, s19  }
0xb7: {  	[tilespmem:s2], [sflag:$0x3] =	stream.linear.gather [hbm4b:s24+s17], $0x80, $0x38;
	[tilespmem:$0x1C000] =	vst v63  }
.Ltmp7:
0xb8: {  	s2 =	sor.u32 $0x8C00, s18;
	s24 =	sadd.s32 $0x40, s19;
	(pc) =	sbr.rel @p1 .LBB2_10-.Ltmp7, $4  }
0xb9: {  	[tilespmem:s2], [sflag:$0x3] =	stream.linear.gather [hbm4b:s23+s17], $0x80, $0x38;
	[tilespmem:$0x1C000] =	vst v63  }
0xba: {  	s28 =	sadd.s32 $0x50, s19;
	s23 =	sand.u32 $0x2000, s22;
	s2 =	sor.u32 $0x9000, s18  }
0xbb: {  	[tilespmem:s2], [sflag:$0x3] =	stream.linear.gather [hbm4b:s24+s17], $0x80, $0x38;
	[tilespmem:$0x1C000] =	vst v63  }
0xbc: {  	s0 =	sor.u32 $0x9400, s18;
	s25 =	sadd.s32 $0x60, s19;
	s24 =	smov.u32 s29  }
.LBB2_11:
0xbd: {  	[tilespmem:s0], [sflag:$0x3] =	stream.linear.gather @p0 [hbm4b:s28+s17], $0x80, $0x38;
	[tilespmem:$0x1C000] =	vst v63  }
0xbe: {  	s31 =	sand.u32 $0x380, s20;
	s2 =	sadd.s32 s26, s8;
	s9 =	sand.u32 $0xC, s21  }
0xbf: {  	s20 =	sor.u32 @p0 $0x9800, s18;
	s18 =	sor.u32 @p0 $0x9C00, s18;
	s2 =	sor.u32 s9, s2  }
0xc0: {  	[tilespmem:s20], [sflag:$0x3] =	stream.linear.gather @p0 [hbm4b:s25+s17], $0x80, $0x38;
	[tilespmem:$0x1C000] =	vst v63  }
0xc1: {  	s19 =	sadd.s32 @p0 $0x70, s19;
	s0 =	sor.u32 s31, s23;
	s2 =	sshll.u32 s2, $0x7  }
0xc2: {  	[tilespmem:s18], [sflag:$0x3] =	stream.linear.gather @p0 [hbm4b:s19+s17], $0x80, $0x38;
	[tilespmem:$0x1C000] =	vst v63  }
0xc3: {  	s10 =	sor.u32 $0x8000, s0;
	s2 =	sadd.s32 s1, s2  }
0xc4: {  	[tilespmem:s10], [sflag:$0x3] =	stream.linear.gather [hbm4b:s2+s17], $0x80, $0x38;
	[tilespmem:$0x1C000] =	vst v63  }
0xc5: {  	s20 =	sor.u32 $0x8400, s0;
	s19 =	sadd.s32 $0x10, s2  }
0xc6: {  	[tilespmem:s20], [sflag:$0x3] =	stream.linear.gather [hbm4b:s19+s17], $0x80, $0x38;
	[tilespmem:$0x1C000] =	vst v63  }
0xc7: {  	s22 =	sor.u32 $0x8800, s0;
	s21 =	sadd.s32 $0x20, s2  }
0xc8: {  	[tilespmem:s22], [sflag:$0x3] =	stream.linear.gather [hbm4b:s21+s17], $0x80, $0x38;
	[tilespmem:$0x1C000] =	vst v63  }
0xc9: {  	s24 =	sor.u32 $0x8C00, s0;
	s23 =	sadd.s32 $0x30, s2  }
0xca: {  	[tilespmem:s24], [sflag:$0x3] =	stream.linear.gather [hbm4b:s23+s17], $0x80, $0x38;
	[tilespmem:$0x1C000] =	vst v63  }
0xcb: {  	s26 =	sor.u32 $0x9000, s0;
	s25 =	sadd.s32 $0x40, s2  }
0xcc: {  	[tilespmem:s26], [sflag:$0x3] =	stream.linear.gather [hbm4b:s25+s17], $0x80, $0x38;
	[tilespmem:$0x1C000] =	vst v63  }
0xcd: {  	s29 =	sor.u32 $0x9400, s0;
	s28 =	sadd.s32 $0x50, s2  }
0xce: {  	[tilespmem:s29], [sflag:$0x3] =	stream.linear.gather [hbm4b:s28+s17], $0x80, $0x38;
	[tilespmem:$0x1C000] =	vst v63  }
.Ltmp8:
0xcf: {  	_ = 	snop;
	(pc) =	sbr.rel .LBB2_12-.Ltmp8, $4  }
0xd0: {  	s31 =	sor.u32 $0x9800, s0;
	s30 =	sadd.s32 $0x60, s2  }
0xd1: {  	[tilespmem:s31], [sflag:$0x3] =	stream.linear.gather [hbm4b:s30+s17], $0x80, $0x38;
	[tilespmem:$0x1C000] =	vst v63  }
0xd2: {  	s0 =	sor.u32 $0x9C00, s0;
	s18 =	simm.s32 $0x0;
	s2 =	sadd.s32 $0x70, s2  }
0xd3: {  	[tilespmem:s0], [sflag:$0x3] =	stream.linear.gather [hbm4b:s2+s17], $0x80, $0x38;
	[tilespmem:$0x1C000] =	vst v63  }
.LBB2_33:
0xd4: {  	s18 =	sadd.s32 $0x1, s18  }
0xd5: {  	p1 =	sne.s32 s18, $0x40  }
.Ltmp9:
0xd6: {  	_ = 	snop;
	(pc) =	sbr.rel @!p1 .LBB2_34-.Ltmp9, $3  }
0xd7: {  	_ =	sdelay $0x1  }
0xd8: {  	s17 =	sadd.s32 $0x1, s17  }
0xd9: {  	s17 =	simm.s32 @p0 $0x0  }
.LBB2_12:
0xda: {  	p1 =	seq.s32 s17, $0x0  }
.Ltmp10:
0xdb: {  	_ = 	snop;
	(pc) =	sbr.rel @p1 .LBB2_21-.Ltmp10, $2  }
0xdc: {  	_ =	sdelay $0x2  }
0xdd: {  	p0 =	por $0x0, $0x0  }
0xde: {  	p1 =	seq.s32 s17, $0x2  }
.Ltmp11:
0xdf: {  	_ = 	snop;
	(pc) =	sbr.rel @p1 .LBB2_27-.Ltmp11, $1  }
0xe0: {  	_ =	sdelay $0x3  }
0xe1: {  	p1 =	sne.s32 s17, $0x1  }
.Ltmp12:
0xe2: {  	_ = 	snop;
	(pc) =	sbr.rel @p1 .LBB2_33-.Ltmp12, $1  }
0xe3: {  	_ =	sdelay $0x3  }
0xe4: {  	_ =	swait.ge [sflag:s15], $0x400  }
0xe5: {  	[sflag:s15] =	ssyncset.done $0x0  }
0xe6: {  	[sflag:s15] =	ssyncadd.s32 $0xFFFFFC00  }
0xe7: {  	_ =	swait.ge [sflag:s15], $0x400  }
0xe8: {  	[sflag:s15] =	ssyncset.done $0x0  }
0xe9: {  	[sflag:s15] =	ssyncadd.s32 $0xFFFFFC00  }
0xea: {  	_ =	swait.ge [sflag:s15], $0x400  }
0xeb: {  	[sflag:s15] =	ssyncset.done $0x0  }
0xec: {  	[sflag:s15] =	ssyncadd.s32 $0xFFFFFC00  }
0xed: {  	_ =	swait.ge [sflag:s15], $0x400  }
0xee: {  	[sflag:s15] =	ssyncset.done $0x0  }
0xef: {  	[sflag:s15] =	ssyncadd.s32 $0xFFFFFC00  }
0xf0: {  	_ =	swait.ge [sflag:s15], $0x400  }
0xf1: {  	[sflag:s15] =	ssyncset.done $0x0  }
0xf2: {  	[sflag:s15] =	ssyncadd.s32 $0xFFFFFC00  }
0xf3: {  	_ =	swait.ge [sflag:s15], $0x400  }
0xf4: {  	[sflag:s15] =	ssyncset.done $0x0  }
0xf5: {  	[sflag:s15] =	ssyncadd.s32 $0xFFFFFC00  }
0xf6: {  	_ =	swait.ge [sflag:s15], $0x400  }
0xf7: {  	[sflag:s15] =	ssyncset.done $0x0  }
0xf8: {  	[sflag:s15] =	ssyncadd.s32 $0xFFFFFC00  }
0xf9: {  	_ =	swait.ge [sflag:s15], $0x400  }
0xfa: {  	[sflag:s15] =	ssyncset.done $0x0  }
0xfb: {  	[sflag:s15] =	ssyncadd.s32 $0xFFFFFC00  }
0xfc: {  	_ =	swait.ge [sflag:s15], $0x400  }
0xfd: {  	[sflag:s15] =	ssyncset.done $0x0  }
0xfe: {  	[sflag:s15] =	ssyncadd.s32 $0xFFFFFC00  }
0xff: {  	_ =	swait.ge [sflag:s15], $0x400  }
0x100: {  	[sflag:s15] =	ssyncset.done $0x0  }
0x101: {  	[sflag:s15] =	ssyncadd.s32 $0xFFFFFC00  }
0x102: {  	_ =	swait.ge [sflag:s15], $0x400  }
0x103: {  	[sflag:s15] =	ssyncset.done $0x0  }
0x104: {  	[sflag:s15] =	ssyncadd.s32 $0xFFFFFC00  }
0x105: {  	s0 =	simm.s32 $0x0;
	s2 =	simm.s32 $0x0;
	_ =	swait.ge [sflag:s15], $0x400  }
0x106: {  	s0 =	sand.u32 $0x1C00, s0;
	s2 =	sand.u32 $0x180, s2;
	[sflag:s15] =	ssyncset.done $0x0  }
0x107: {  	s0 =	sor.u32 s0, s2;
	[sflag:s15] =	ssyncadd.s32 $0xFFFFFC00  }
0x108: {  	v10 =	vld [tilespmem:s0+$0x4070]  }
0x109: {  	v11 =	vld [tilespmem:s0+$0x4270]  }
0x10a: {  	v12 =	vld [tilespmem:s0+$0x4000]  }
0x10b: {  	v13 =	vld [tilespmem:s0+$0x6070]  }
0x10c: {  	v14 =	vld [tilespmem:s0+$0x4200]  }
0x10d: {  	v15 =	vld [tilespmem:s0+$0x4010]  }
0x10e: {  	v16 =	vld [tilespmem:s0+$0x4210]  }
0x10f: {  	v17 =	vld [tilespmem:s0+$0x4020]  }
0x110: {  	v18 =	vld [tilespmem:s0+$0x4220]  }
0x111: {  	v19 =	vld [tilespmem:s0+$0x4030]  }
0x112: {  	v20 =	vld [tilespmem:s0+$0x4240]  }
0x113: {  	v21 =	vld [tilespmem:s0+$0x6000];
	v10 =	vshll.u32 v10, $0x1;
	v11 =	vshrl.u32 v11, $0x2  }
0x114: {  	v22 =	vld [tilespmem:s0+$0x6010];
	v10 =	vand.u32 $0x1C0, v10;
	v11 =	vand.u32 $0x38, v11  }
0x115: {  	v23 =	vld [tilespmem:s0+$0x4050];
	v13 =	vshra.s32 v13, $0x5;
	v10 =	vor.u32 v11, v10  }
0x116: {  	v24 =	vld [tilespmem:s0+$0x4250];
	v10 =	vadd.s32 v10, v13  }
0x117: {  	v48 =	vld [tilespmem:s0+$0x6020];
	v10 =	vadd.s32 v9, v10  }
0x118: {  	v49 =	vld [tilespmem:s0+$0x6040];
	v12 =	vshll.u32 v12, $0x1;
	v14 =	vshrl.u32 v14, $0x2  }
0x119: {  	v25 =	vld [tilespmem:s0+$0x6050];
	v12 =	vand.u32 $0x1C0, v12;
	v14 =	vand.u32 $0x38, v14  }
0x11a: {  	v26 =	vld [tilespmem:s0+$0x6060];
	v12 =	vor.u32 v14, v12;
	v14 =	vshrl.u32 v16, $0x2;
	v16 =	vshra.s32 v21, $0x5  }
0x11b: {  	v15 =	vshll.u32 v15, $0x1;
	v11 =	vld [tilespmem:s0+$0x4230];
	v12 =	vadd.s32 v12, v16  }
0x11c: {  	v14 =	vand.u32 $0x38, v14;
	v12 =	vadd.s32 v0, v12;
	[tilespmem:v10+s12+$0x0] =	vst.idx.add.s32.msk $0xffff, v2;
	v10 =	vand.u32 $0x1C0, v15  }
0x11d: {  	v13 =	vld [tilespmem:s0+$0x4040];
	v16 =	vshra.s32 v22, $0x5;
	v10 =	vor.u32 v14, v10  }
0x11e: {  	v17 =	vshll.u32 v17, $0x1;
	v18 =	vshrl.u32 v18, $0x2;
	v15 =	vld [tilespmem:s0+$0x4060];
	v10 =	vadd.s32 v10, v16  }
0x11f: {  	s30 =	simm.s32 $0x10;
	s19 =	simm.s32 $0x400;
	v17 =	vand.u32 $0x1C0, v17;
	v18 =	vand.u32 $0x38, v18;
	v14 =	vld [tilespmem:s0+$0x4260];
	v10 =	vadd.s32 v3, v10  }
0x120: {  	s31 =	sand.u32 $0x1C00, s19;
	v19 =	vshll.u32 v19, $0x1;
	v17 =	vor.u32 v18, v17;
	v18 =	vshll.u32 v23, $0x1;
	v16 =	vld [tilespmem:s0+$0x6030];
	s0 =	sand.u32 $0x180, s30  }
0x121: {  	v11 =	vshrl.u32 v11, $0x2;
	[tilespmem:v12+s12+$0x0] =	vst.idx.add.s32.msk $0xffff, v2;
	v12 =	vand.u32 $0x1C0, v19;
	v19 =	vshrl.u32 v24, $0x2;
	s20 =	sor.u32 s31, s0  }
0x122: {  	v18 =	vand.u32 $0x1C0, v18;
	v11 =	vand.u32 $0x38, v11;
	v19 =	vand.u32 $0x38, v19;
	v50 =	vld [tilespmem:s20+$0x4270]  }
0x123: {  	v11 =	vor.u32 v11, v12;
	v12 =	vor.u32 v19, v18;
	v19 =	vld [tilespmem:s20+$0x6070]  }
0x124: {  	v54 =	vshra.s32 v25, $0x5;
	v13 =	vshll.u32 v13, $0x1;
	[tilespmem:v10+s12+$0x0] =	vst.idx.add.s32.msk $0xffff, v2  }
0x125: {  	v22 =	vshra.s32 v49, $0x5;
	v13 =	vand.u32 $0x1C0, v13;
	v10 =	vshrl.u32 v20, $0x2;
	v20 =	vld [tilespmem:s20+$0x4070]  }
0x126: {  	v18 =	vshra.s32 v48, $0x5;
	v52 =	vld [tilespmem:s20+$0x4020];
	v15 =	vshll.u32 v15, $0x1;
	v14 =	vshrl.u32 v14, $0x2  }
0x127: {  	v12 =	vadd.s32 v12, v54;
	v53 =	vld [tilespmem:s20+$0x4220];
	v15 =	vand.u32 $0x1C0, v15;
	v14 =	vand.u32 $0x38, v14  }
0x128: {  	v17 =	vadd.s32 v17, v18;
	v58 =	vadd.s32 v7, v12;
	v12 =	vld [tilespmem:s20+$0x4040];
	v14 =	vor.u32 v14, v15  }
0x129: {  	v18 =	vld [tilespmem:s20+$0x4200];
	v15 =	vshra.s32 v16, $0x5;
	v16 =	vadd.s32 v4, v17;
	v10 =	vand.u32 $0x38, v10  }
0x12a: {  	v17 =	vld [tilespmem:s20+$0x4010];
	v11 =	vadd.s32 v11, v15;
	v51 =	vshrl.u32 v50, $0x2;
	v20 =	vshll.u32 v20, $0x1  }
0x12b: {  	v10 =	vor.u32 v10, v13;
	v13 =	vld [tilespmem:s20+$0x4000];
	v21 =	vand.u32 $0x38, v51;
	v20 =	vand.u32 $0x1C0, v20  }
0x12c: {  	v15 =	vld [tilespmem:s20+$0x4210];
	v19 =	vshra.s32 v19, $0x5;
	v23 =	vshll.u32 v52, $0x1;
	v20 =	vor.u32 v21, v20  }
0x12d: {  	v55 =	vld [tilespmem:s20+$0x4030];
	v24 =	vshrl.u32 v53, $0x2;
	v12 =	vshll.u32 v12, $0x1;
	v19 =	vadd.s32 v20, v19  }
0x12e: {  	v56 =	vld [tilespmem:s20+$0x4230];
	v11 =	vadd.s32 v5, v11;
	v10 =	vadd.s32 v10, v22;
	v19 =	vadd.s32 v9, v19  }
0x12f: {  	v59 =	vld [tilespmem:s20+$0x4060];
	v57 =	vadd.s32 v6, v10;
	v17 =	vshll.u32 v17, $0x1;
	v20 =	vshra.s32 v26, $0x5  }
0x130: {  	v13 =	vshll.u32 v13, $0x1;
	v10 =	vadd.s32 v14, v20;
	v14 =	vshrl.u32 v18, $0x2;
	v18 =	vld [tilespmem:s20+$0x4240]  }
0x131: {  	v15 =	vshrl.u32 v15, $0x2;
	v13 =	vand.u32 $0x1C0, v13;
	v20 =	vld [tilespmem:s20+$0x4050];
	v14 =	vand.u32 $0x38, v14  }
0x132: {  	v15 =	vand.u32 $0x38, v15;
	v14 =	vor.u32 v14, v13;
	v13 =	vand.u32 $0x1C0, v17;
	v17 =	vld [tilespmem:s20+$0x4250]  }
0x133: {  	[tilespmem:v19+s12+$0x0] =	vst.idx.add.s32.msk $0xffff, v2;
	v19 =	vor.u32 v15, v13;
	v13 =	vand.u32 $0x1C0, v23;
	v15 =	vand.u32 $0x38, v24  }
0x134: {  	v22 =	vshll.u32 v55, $0x1;
	v24 =	vor.u32 v15, v13;
	v13 =	vshrl.u32 v56, $0x2;
	v15 =	vld [tilespmem:s20+$0x4260]  }
0x135: {  	v61 =	vld [tilespmem:s20+$0x6000];
	v12 =	vand.u32 $0x1C0, v12;
	v60 =	vand.u32 $0x1C0, v22;
	v13 =	vand.u32 $0x38, v13  }
0x136: {  	v10 =	vadd.s32 v8, v10;
	v21 =	vor.u32 v13, v60;
	v13 =	vshrl.u32 v18, $0x2;
	v18 =	vld [tilespmem:s20+$0x6010]  }
0x137: {  	v27 =	vld [tilespmem:s20+$0x6020];
	v20 =	vshll.u32 v20, $0x1;
	v17 =	vshrl.u32 v17, $0x2;
	v13 =	vand.u32 $0x38, v13  }
0x138: {  	v28 =	vor.u32 v13, v12;
	v12 =	vand.u32 $0x1C0, v20;
	v13 =	vand.u32 $0x38, v17;
	v20 =	vld [tilespmem:s20+$0x6030]  }
0x139: {  	v62 =	vld [tilespmem:s20+$0x6040];
	v13 =	vor.u32 v13, v12;
	v12 =	vshll.u32 v59, $0x1;
	v15 =	vshrl.u32 v15, $0x2  }
0x13a: {  	v63 =	vld [tilespmem:s20+$0x6050];
	v17 =	vshra.s32 v61, $0x5;
	v12 =	vand.u32 $0x1C0, v12;
	v15 =	vand.u32 $0x38, v15  }
0x13b: {  	v29 =	vadd.s32 v14, v17;
	v17 =	vld [tilespmem:s20+$0x6060];
	v18 =	vshra.s32 v18, $0x5;
	v14 =	vor.u32 v15, v12  }
0x13c: {  	[tilespmem:v58+s12+$0x0] =	vst.idx.add.s32.msk $0xffff, v2;
	v15 =	vadd.s32 v0, v29;
	v12 =	vadd.s32 v19, v18;
	v18 =	vshra.s32 v27, $0x5  }
0x13d: {  	[tilespmem:v16+s12+$0x0] =	vst.idx.add.s32.msk $0xffff, v2;
	v16 =	vadd.s32 v3, v12;
	v12 =	vadd.s32 v24, v18;
	v18 =	vshra.s32 v20, $0x5  }
0x13e: {  	[tilespmem:v11+s12+$0x0] =	vst.idx.add.s32.msk $0xffff, v2;
	v11 =	vadd.s32 v4, v12;
	v12 =	vadd.s32 v21, v18;
	v18 =	vshra.s32 v62, $0x5  }
0x13f: {  	s21 =	simm.s32 $0x80;
	[tilespmem:v57+s12+$0x0] =	vst.idx.add.s32.msk $0xffff, v2;
	s20 =	simm.s32 $0x8;
	v19 =	vshra.s32 v63, $0x5;
	v12 =	vadd.s32 v5, v12;
	v18 =	vadd.s32 v28, v18  }
.LBB2_16:
0x140: {  	s0 =	sshrl.u32 s21, $0x2;
	v18 =	vadd.s32 v6, v18;
	v13 =	vadd.s32 v13, v19;
	v17 =	vshra.s32 v17, $0x5;
	s19 =	sadd.s32 $0x400, s19;
	[tilespmem:v10+s12+$0x0] =	vst.idx.add.s32.msk $0xffff, v2  }
0x141: {  	s20 =	sadd.s32 $0x8, s20;
	s2 =	sand.u32 $0x1C00, s19;
	s0 =	sand.u32 $0x180, s0;
	[tilespmem:v15+s12+$0x0] =	vst.idx.add.s32.msk $0xffff, v2;
	v20 =	vadd.s32 v7, v13;
	v10 =	vadd.s32 v14, v17  }
0x142: {  	p1 =	slt.u32 s20, $0xF8;
	s22 =	sor.u32 s2, s0;
	[tilespmem:v16+s12+$0x0] =	vst.idx.add.s32.msk $0xffff, v2;
	v10 =	vadd.s32 v8, v10  }
0x143: {  	v13 =	vld [tilespmem:s22+$0x4070]  }
0x144: {  	v14 =	vld [tilespmem:s22+$0x4270]  }
0x145: {  	v15 =	vld [tilespmem:s22+$0x4000]  }
0x146: {  	v16 =	vld [tilespmem:s22+$0x6070]  }
0x147: {  	v17 =	vld [tilespmem:s22+$0x4200]  }
0x148: {  	v19 =	vld [tilespmem:s22+$0x4010]  }
0x149: {  	v13 =	vshll.u32 v13, $0x1;
	v21 =	vld [tilespmem:s22+$0x4210];
	v14 =	vshrl.u32 v14, $0x2  }
0x14a: {  	v13 =	vand.u32 $0x1C0, v13;
	v15 =	vshll.u32 v15, $0x1;
	v22 =	vld [tilespmem:s22+$0x4020];
	v14 =	vand.u32 $0x38, v14  }
0x14b: {  	v15 =	vand.u32 $0x1C0, v15;
	v23 =	vld [tilespmem:s22+$0x4220];
	v16 =	vshra.s32 v16, $0x5;
	v13 =	vor.u32 v14, v13  }
0x14c: {  	v14 =	vshrl.u32 v17, $0x2;
	v17 =	vld [tilespmem:s22+$0x4030];
	v13 =	vadd.s32 v13, v16  }
0x14d: {  	v14 =	vand.u32 $0x38, v14;
	v16 =	vshll.u32 v19, $0x1;
	v19 =	vld [tilespmem:s22+$0x4230];
	v13 =	vadd.s32 v9, v13  }
0x14e: {  	v14 =	vor.u32 v14, v15;
	v15 =	vand.u32 $0x1C0, v16;
	v16 =	vshrl.u32 v21, $0x2;
	v21 =	vld [tilespmem:s22+$0x4040]  }
0x14f: {  	v16 =	vand.u32 $0x38, v16;
	v22 =	vshll.u32 v22, $0x1;
	v24 =	vld [tilespmem:s22+$0x4240]  }
0x150: {  	v16 =	vor.u32 v16, v15;
	v15 =	vand.u32 $0x1C0, v22;
	v22 =	vshrl.u32 v23, $0x2;
	v23 =	vld [tilespmem:s22+$0x4050]  }
0x151: {  	v22 =	vand.u32 $0x38, v22;
	v17 =	vshll.u32 v17, $0x1;
	v25 =	vld [tilespmem:s22+$0x4250]  }
0x152: {  	v22 =	vor.u32 v22, v15;
	v15 =	vand.u32 $0x1C0, v17;
	v17 =	vshrl.u32 v19, $0x2;
	[tilespmem:v13+s12+$0x0] =	vst.idx.add.s32.msk $0xffff, v2  }
0x153: {  	v13 =	vand.u32 $0x38, v17;
	v17 =	vshll.u32 v21, $0x1;
	v19 =	vld [tilespmem:s22+$0x4060]  }
0x154: {  	v21 =	vor.u32 v13, v15;
	v13 =	vand.u32 $0x1C0, v17;
	v15 =	vshrl.u32 v24, $0x2;
	v17 =	vld [tilespmem:s22+$0x4260]  }
0x155: {  	v24 =	vld [tilespmem:s22+$0x6000];
	v15 =	vand.u32 $0x38, v15;
	v23 =	vshll.u32 v23, $0x1  }
0x156: {  	v26 =	vld [tilespmem:s22+$0x6010];
	v27 =	vor.u32 v15, v13;
	v13 =	vand.u32 $0x1C0, v23;
	v15 =	vshrl.u32 v25, $0x2  }
0x157: {  	v23 =	vld [tilespmem:s22+$0x6020];
	v15 =	vand.u32 $0x38, v15  }
0x158: {  	v25 =	vld [tilespmem:s22+$0x6030];
	v13 =	vor.u32 v15, v13;
	v15 =	vshll.u32 v19, $0x1  }
0x159: {  	v19 =	vld [tilespmem:s22+$0x6040];
	v15 =	vand.u32 $0x1C0, v15;
	v17 =	vshrl.u32 v17, $0x2  }
0x15a: {  	v24 =	vshra.s32 v24, $0x5;
	v28 =	vld [tilespmem:s22+$0x6050];
	v29 =	vand.u32 $0x38, v17  }
.Ltmp13:
0x15b: {  	v24 =	vadd.s32 v14, v24;
	v26 =	vshra.s32 v26, $0x5;
	v17 =	vld [tilespmem:s22+$0x6060];
	v14 =	vor.u32 v29, v15;
	(pc) =	sbr.rel @p1 .LBB2_16-.Ltmp13, $4  }
0x15c: {  	v15 =	vadd.s32 v0, v24;
	v16 =	vadd.s32 v16, v26;
	v23 =	vshra.s32 v23, $0x5;
	[tilespmem:v11+s12+$0x0] =	vst.idx.add.s32.msk $0xffff, v2  }
0x15d: {  	v16 =	vadd.s32 v3, v16;
	v11 =	vadd.s32 v22, v23;
	v22 =	vshra.s32 v25, $0x5;
	[tilespmem:v12+s12+$0x0] =	vst.idx.add.s32.msk $0xffff, v2  }
0x15e: {  	v11 =	vadd.s32 v4, v11;
	v12 =	vadd.s32 v21, v22;
	v19 =	vshra.s32 v19, $0x5;
	[tilespmem:v18+s12+$0x0] =	vst.idx.add.s32.msk $0xffff, v2  }
0x15f: {  	s21 =	sadd.s32 $0x40, s21;
	v12 =	vadd.s32 v5, v12;
	v18 =	vadd.s32 v27, v19;
	v19 =	vshra.s32 v28, $0x5;
	[tilespmem:v20+s12+$0x0] =	vst.idx.add.s32.msk $0xffff, v2  }
0x160: {  	_ =	sdelay $0x3  }
0x161: {  	v18 =	vadd.s32 v6, v18;
	v13 =	vadd.s32 v13, v19;
	v17 =	vshra.s32 v17, $0x5;
	[tilespmem:v10+s12+$0x0] =	vst.idx.add.s32.msk $0xffff, v2  }
0x162: {  	[tilespmem:v15+s12+$0x0] =	vst.idx.add.s32.msk $0xffff, v2;
	v10 =	vadd.s32 v7, v13;
	v63 =	vadd.s32 v14, v17  }
0x163: {  	[tilespmem:v16+s12+$0x0] =	vst.idx.add.s32.msk $0xffff, v2;
	p1 =	sgt.u32 s18, $0x3C;
	v13 =	vadd.s32 v8, v63  }
.Ltmp14:
0x164: {  	[tilespmem:v11+s12+$0x0] =	vst.idx.add.s32.msk $0xffff, v2;
	(pc) =	sbr.rel @p1 .LBB2_33-.Ltmp14, $4  }
0x165: {  	[tilespmem:v12+s12+$0x0] =	vst.idx.add.s32.msk $0xffff, v2  }
0x166: {  	[tilespmem:v18+s12+$0x0] =	vst.idx.add.s32.msk $0xffff, v2  }
0x167: {  	[tilespmem:v10+s12+$0x0] =	vst.idx.add.s32.msk $0xffff, v2  }
0x168: {  	[tilespmem:v13+s12+$0x0] =	vst.idx.add.s32.msk $0xffff, v2  }
0x169: {  	s0 =	sadd.s32 $0x3, s18  }
0x16a: {  	s2 =	sshrl.u32 s0, $0x1  }
0x16b: {  	s2 =	sadd.s32 s4, s2  }
0x16c: {  	s0 =	sshll.u32 s0, $0x4;
	s2 =	smul.u32 $0x60, s2  }
0x16d: {  	s0 =	sand.u32 $0x10, s0  }
0x16e: {  	s0 =	sor.u32 s2, s0  }
0x16f: {  	s0 =	sor.u32 s5, s0  }
0x170: {  	s25 =	simm.s32 $0x0;
	s20 =	simm.s32 $0x8;
	[dreg:$0x3] =	wrdreg s0  }
0x171: {  	s23 =	simm.s32 $0x400;
	s19 =	sand.u32 $0x60, s25;
	s0 =	rddreg [dreg:$0x3]  }
0x172: {  	s24 =	simm.s32 $0x4;
	s26 =	sand.u32 $0xC, s25;
	s0 =	sadd.s32 s19, s0  }
0x173: {  	s22 =	sand.u32 $0x2000, s25;
	s2 =	sand.u32 $0x380, s25;
	s0 =	sor.u32 s26, s0  }
0x174: {  	s21 =	sand.u32 $0x60, s20;
	s20 =	sor.u32 s2, s22;
	s0 =	sshll.u32 s0, $0x7  }
0x175: {  	s22 =	simm.s32 $0x80;
	s2 =	sor.u32 $0x4000, s20;
	s0 =	sand.u32 $0x1FFFFF80, s0  }
0x176: {  	s25 =	sor.u32 $0x4800, s20;
	s28 =	sand.u32 $0x380, s22;
	s19 =	sadd.s32 s1, s0  }
0x177: {  	[tilespmem:s2], [sflag:$0x2] =	stream.linear.gather [hbm4b:s19+s3], $0x80, $0x38;
	[tilespmem:$0x1C000] =	vst v63  }
0x178: {  	s26 =	simm.s32 $0x10;
	s0 =	rddreg [dreg:$0x3];
	s9 =	sadd.s32 $0x10, s19  }
0x179: {  	s2 =	sor.u32 $0x4400, s20;
	s10 =	sadd.s32 $0x20, s19;
	s31 =	sadd.s32 $0x40, s19  }
0x17a: {  	[tilespmem:s2], [sflag:$0x2] =	stream.linear.gather [hbm4b:s9+s3], $0x80, $0x38;
	[tilespmem:$0x1C000] =	vst v63  }
0x17b: {  	s30 =	sadd.s32 $0x50, s19;
	s29 =	sadd.s32 $0x60, s19;
	s9 =	sadd.s32 $0x30, s19  }
0x17c: {  	[tilespmem:s25], [sflag:$0x2] =	stream.linear.gather [hbm4b:s10+s3], $0x80, $0x38;
	[tilespmem:$0x1C000] =	vst v63  }
0x17d: {  	s2 =	sor.u32 $0x5000, s20;
	s25 =	sand.u32 $0x2000, s23;
	s10 =	sor.u32 $0x4C00, s20  }
0x17e: {  	[tilespmem:s10], [sflag:$0x2] =	stream.linear.gather [hbm4b:s9+s3], $0x80, $0x38;
	[tilespmem:$0x1C000] =	vst v63  }
.LBB2_19:
0x17f: {  	[tilespmem:s2], [sflag:$0x2] =	stream.linear.gather [hbm4b:s31+s3], $0x80, $0x38;
	[tilespmem:$0x1C000] =	vst v63  }
0x180: {  	s10 =	smov.u32 s26  }
0x181: {  	s0 =	sadd.s32 s21, s0;
	s21 =	sand.u32 $0x60, s26;
	s2 =	sand.u32 $0xC, s24  }
0x182: {  	s9 =	sadd.s32 $0x8, s26;
	s31 =	sor.u32 $0x5800, s20;
	p1 =	seq.s32 s26, $0x58  }
0x183: {  	s22 =	sadd.s32 $0x80, s22;
	s23 =	sadd.s32 $0x400, s23;
	s0 =	sor.u32 s2, s0  }
0x184: {  	s24 =	sadd.s32 $0x4, s24;
	s2 =	sor.u32 $0x5400, s20;
	s0 =	sshll.u32 s0, $0x7  }
0x185: {  	[tilespmem:s2], [sflag:$0x2] =	stream.linear.gather [hbm4b:s30+s3], $0x80, $0x38;
	[tilespmem:$0x1C000] =	vst v63  }
0x186: {  	s10 =	sor.u32 $0x5C00, s20;
	s20 =	sor.u32 s28, s25;
	s0 =	sand.u32 $0x1FFFFF80, s0  }
0x187: {  	[tilespmem:s31], [sflag:$0x2] =	stream.linear.gather [hbm4b:s29+s3], $0x80, $0x38;
	[tilespmem:$0x1C000] =	vst v63  }
0x188: {  	s25 =	sadd.s32 $0x70, s19;
	s28 =	sand.u32 $0x380, s22;
	s19 =	sadd.s32 s1, s0  }
0x189: {  	[tilespmem:s10], [sflag:$0x2] =	stream.linear.gather [hbm4b:s25+s3], $0x80, $0x38;
	[tilespmem:$0x1C000] =	vst v63  }
0x18a: {  	s26 =	sor.u32 $0x4000, s20;
	s2 =	sadd.s32 $0x20, s19;
	s0 =	sadd.s32 $0x10, s19  }
0x18b: {  	[tilespmem:s26], [sflag:$0x2] =	stream.linear.gather [hbm4b:s19+s3], $0x80, $0x38;
	[tilespmem:$0x1C000] =	vst v63  }
0x18c: {  	s31 =	sadd.s32 $0x40, s19;
	s30 =	sadd.s32 $0x50, s19;
	s10 =	sor.u32 $0x4400, s20  }
0x18d: {  	[tilespmem:s10], [sflag:$0x2] =	stream.linear.gather [hbm4b:s0+s3], $0x80, $0x38;
	[tilespmem:$0x1C000] =	vst v63  }
.Ltmp15:
0x18e: {  	s29 =	sadd.s32 $0x60, s19;
	s10 =	sor.u32 $0x4800, s20;
	(pc) =	sbr.rel @!p1 .LBB2_19-.Ltmp15, $4  }
0x18f: {  	[tilespmem:s10], [sflag:$0x2] =	stream.linear.gather [hbm4b:s2+s3], $0x80, $0x38;
	[tilespmem:$0x1C000] =	vst v63  }
0x190: {  	s25 =	sand.u32 $0x2000, s23;
	s26 =	sadd.s32 $0x30, s19;
	s10 =	sor.u32 $0x4C00, s20  }
0x191: {  	[tilespmem:s10], [sflag:$0x2] =	stream.linear.gather [hbm4b:s26+s3], $0x80, $0x38;
	[tilespmem:$0x1C000] =	vst v63  }
0x192: {  	s0 =	rddreg [dreg:$0x3];
	s2 =	sor.u32 $0x5000, s20;
	s26 =	smov.u32 s9  }
0x193: {  	[tilespmem:s2], [sflag:$0x2] =	stream.linear.gather [hbm4b:s31+s3], $0x80, $0x38;
	[tilespmem:$0x1C000] =	vst v63  }
0x194: {  	s0 =	sadd.s32 s21, s0;
	s24 =	sand.u32 $0xC, s24  }
0x195: {  	s26 =	sor.u32 $0x5400, s20;
	s0 =	sor.u32 s24, s0  }
0x196: {  	[tilespmem:s26], [sflag:$0x2] =	stream.linear.gather [hbm4b:s30+s3], $0x80, $0x38;
	[tilespmem:$0x1C000] =	vst v63  }
0x197: {  	s31 =	sor.u32 $0x5800, s20;
	s9 =	sor.u32 $0x5C00, s20;
	s0 =	sshll.u32 s0, $0x7  }
0x198: {  	[tilespmem:s31], [sflag:$0x2] =	stream.linear.gather [hbm4b:s29+s3], $0x80, $0x38;
	[tilespmem:$0x1C000] =	vst v63  }
0x199: {  	s2 =	sor.u32 s28, s25;
	s10 =	sadd.s32 $0x70, s19;
	s0 =	sand.u32 $0x1FFFFF80, s0  }
0x19a: {  	[tilespmem:s9], [sflag:$0x2] =	stream.linear.gather [hbm4b:s10+s3], $0x80, $0x38;
	[tilespmem:$0x1C000] =	vst v63  }
0x19b: {  	s0 =	sadd.s32 s1, s0;
	s10 =	sor.u32 $0x4000, s2  }
0x19c: {  	[tilespmem:s10], [sflag:$0x2] =	stream.linear.gather [hbm4b:s0+s3], $0x80, $0x38;
	[tilespmem:$0x1C000] =	vst v63  }
0x19d: {  	s20 =	sor.u32 $0x4400, s2;
	s19 =	sadd.s32 $0x10, s0  }
0x19e: {  	[tilespmem:s20], [sflag:$0x2] =	stream.linear.gather [hbm4b:s19+s3], $0x80, $0x38;
	[tilespmem:$0x1C000] =	vst v63  }
0x19f: {  	s22 =	sor.u32 $0x4800, s2;
	s21 =	sadd.s32 $0x20, s0  }
0x1a0: {  	[tilespmem:s22], [sflag:$0x2] =	stream.linear.gather [hbm4b:s21+s3], $0x80, $0x38;
	[tilespmem:$0x1C000] =	vst v63  }
0x1a1: {  	s24 =	sor.u32 $0x4C00, s2;
	s23 =	sadd.s32 $0x30, s0  }
0x1a2: {  	[tilespmem:s24], [sflag:$0x2] =	stream.linear.gather [hbm4b:s23+s3], $0x80, $0x38;
	[tilespmem:$0x1C000] =	vst v63  }
0x1a3: {  	s26 =	sor.u32 $0x5000, s2;
	s25 =	sadd.s32 $0x40, s0  }
0x1a4: {  	[tilespmem:s26], [sflag:$0x2] =	stream.linear.gather [hbm4b:s25+s3], $0x80, $0x38;
	[tilespmem:$0x1C000] =	vst v63  }
0x1a5: {  	s29 =	sor.u32 $0x5400, s2;
	s28 =	sadd.s32 $0x50, s0  }
0x1a6: {  	[tilespmem:s29], [sflag:$0x2] =	stream.linear.gather [hbm4b:s28+s3], $0x80, $0x38;
	[tilespmem:$0x1C000] =	vst v63  }
.Ltmp16:
0x1a7: {  	_ = 	snop;
	(pc) =	sbr.rel .LBB2_33-.Ltmp16, $4  }
0x1a8: {  	s31 =	sor.u32 $0x5800, s2;
	s30 =	sadd.s32 $0x60, s0  }
0x1a9: {  	[tilespmem:s31], [sflag:$0x2] =	stream.linear.gather [hbm4b:s30+s3], $0x80, $0x38;
	[tilespmem:$0x1C000] =	vst v63  }
0x1aa: {  	s2 =	sor.u32 $0x5C00, s2;
	s0 =	sadd.s32 $0x70, s0  }
0x1ab: {  	[tilespmem:s2], [sflag:$0x2] =	stream.linear.gather [hbm4b:s0+s3], $0x80, $0x38;
	[tilespmem:$0x1C000] =	vst v63  }
.LBB2_27:
0x1ac: {  	_ =	swait.ge [sflag:s14], $0x400  }
0x1ad: {  	[sflag:s14] =	ssyncset.done $0x0  }
0x1ae: {  	[sflag:s14] =	ssyncadd.s32 $0xFFFFFC00  }
0x1af: {  	_ =	swait.ge [sflag:s14], $0x400  }
0x1b0: {  	[sflag:s14] =	ssyncset.done $0x0  }
0x1b1: {  	[sflag:s14] =	ssyncadd.s32 $0xFFFFFC00  }
0x1b2: {  	_ =	swait.ge [sflag:s14], $0x400  }
0x1b3: {  	[sflag:s14] =	ssyncset.done $0x0  }
0x1b4: {  	[sflag:s14] =	ssyncadd.s32 $0xFFFFFC00  }
0x1b5: {  	_ =	swait.ge [sflag:s14], $0x400  }
0x1b6: {  	[sflag:s14] =	ssyncset.done $0x0  }
0x1b7: {  	[sflag:s14] =	ssyncadd.s32 $0xFFFFFC00  }
0x1b8: {  	_ =	swait.ge [sflag:s14], $0x400  }
0x1b9: {  	[sflag:s14] =	ssyncset.done $0x0  }
0x1ba: {  	[sflag:s14] =	ssyncadd.s32 $0xFFFFFC00  }
0x1bb: {  	_ =	swait.ge [sflag:s14], $0x400  }
0x1bc: {  	[sflag:s14] =	ssyncset.done $0x0  }
0x1bd: {  	[sflag:s14] =	ssyncadd.s32 $0xFFFFFC00  }
0x1be: {  	_ =	swait.ge [sflag:s14], $0x400  }
0x1bf: {  	[sflag:s14] =	ssyncset.done $0x0  }
0x1c0: {  	[sflag:s14] =	ssyncadd.s32 $0xFFFFFC00  }
0x1c1: {  	_ =	swait.ge [sflag:s14], $0x400  }
0x1c2: {  	[sflag:s14] =	ssyncset.done $0x0  }
0x1c3: {  	[sflag:s14] =	ssyncadd.s32 $0xFFFFFC00  }
0x1c4: {  	_ =	swait.ge [sflag:s14], $0x400  }
0x1c5: {  	[sflag:s14] =	ssyncset.done $0x0  }
0x1c6: {  	[sflag:s14] =	ssyncadd.s32 $0xFFFFFC00  }
0x1c7: {  	_ =	swait.ge [sflag:s14], $0x400  }
0x1c8: {  	[sflag:s14] =	ssyncset.done $0x0  }
0x1c9: {  	[sflag:s14] =	ssyncadd.s32 $0xFFFFFC00  }
0x1ca: {  	_ =	swait.ge [sflag:s14], $0x400  }
0x1cb: {  	[sflag:s14] =	ssyncset.done $0x0  }
0x1cc: {  	[sflag:s14] =	ssyncadd.s32 $0xFFFFFC00  }
0x1cd: {  	s0 =	simm.s32 $0x0;
	s2 =	simm.s32 $0x0;
	_ =	swait.ge [sflag:s14], $0x400  }
0x1ce: {  	s0 =	sand.u32 $0x1C00, s0;
	s2 =	sand.u32 $0x180, s2;
	[sflag:s14] =	ssyncset.done $0x0  }
0x1cf: {  	s0 =	sor.u32 s0, s2;
	[sflag:s14] =	ssyncadd.s32 $0xFFFFFC00  }
0x1d0: {  	v10 =	vld [tilespmem:s0+$0x8070]  }
0x1d1: {  	v11 =	vld [tilespmem:s0+$0x8270]  }
0x1d2: {  	v12 =	vld [tilespmem:s0+$0x8000]  }
0x1d3: {  	v13 =	vld [tilespmem:s0+$0xA070]  }
0x1d4: {  	v14 =	vld [tilespmem:s0+$0x8200]  }
0x1d5: {  	v15 =	vld [tilespmem:s0+$0x8010]  }
0x1d6: {  	v16 =	vld [tilespmem:s0+$0x8210]  }
0x1d7: {  	v17 =	vld [tilespmem:s0+$0x8020]  }
0x1d8: {  	v18 =	vld [tilespmem:s0+$0x8220]  }
0x1d9: {  	v19 =	vld [tilespmem:s0+$0x8030]  }
0x1da: {  	v20 =	vld [tilespmem:s0+$0x8240]  }
0x1db: {  	v21 =	vld [tilespmem:s0+$0xA000];
	v10 =	vshll.u32 v10, $0x1;
	v11 =	vshrl.u32 v11, $0x2  }
0x1dc: {  	v22 =	vld [tilespmem:s0+$0xA010];
	v10 =	vand.u32 $0x1C0, v10;
	v11 =	vand.u32 $0x38, v11  }
0x1dd: {  	v23 =	vld [tilespmem:s0+$0x8050];
	v13 =	vshra.s32 v13, $0x5;
	v10 =	vor.u32 v11, v10  }
0x1de: {  	v24 =	vld [tilespmem:s0+$0x8250];
	v10 =	vadd.s32 v10, v13  }
0x1df: {  	v48 =	vld [tilespmem:s0+$0xA020];
	v10 =	vadd.s32 v9, v10  }
0x1e0: {  	v49 =	vld [tilespmem:s0+$0xA040];
	v12 =	vshll.u32 v12, $0x1;
	v14 =	vshrl.u32 v14, $0x2  }
0x1e1: {  	v25 =	vld [tilespmem:s0+$0xA050];
	v12 =	vand.u32 $0x1C0, v12;
	v14 =	vand.u32 $0x38, v14  }
0x1e2: {  	v26 =	vld [tilespmem:s0+$0xA060];
	v12 =	vor.u32 v14, v12;
	v14 =	vshrl.u32 v16, $0x2;
	v16 =	vshra.s32 v21, $0x5  }
0x1e3: {  	v15 =	vshll.u32 v15, $0x1;
	v11 =	vld [tilespmem:s0+$0x8230];
	v12 =	vadd.s32 v12, v16  }
0x1e4: {  	v14 =	vand.u32 $0x38, v14;
	v12 =	vadd.s32 v0, v12;
	[tilespmem:v10+s12+$0x0] =	vst.idx.add.s32.msk $0xffff, v2;
	v10 =	vand.u32 $0x1C0, v15  }
0x1e5: {  	v13 =	vld [tilespmem:s0+$0x8040];
	v16 =	vshra.s32 v22, $0x5;
	v10 =	vor.u32 v14, v10  }
0x1e6: {  	v17 =	vshll.u32 v17, $0x1;
	v18 =	vshrl.u32 v18, $0x2;
	v15 =	vld [tilespmem:s0+$0x8060];
	v10 =	vadd.s32 v10, v16  }
0x1e7: {  	s30 =	simm.s32 $0x10;
	s19 =	simm.s32 $0x400;
	v17 =	vand.u32 $0x1C0, v17;
	v18 =	vand.u32 $0x38, v18;
	v14 =	vld [tilespmem:s0+$0x8260];
	v10 =	vadd.s32 v3, v10  }
0x1e8: {  	s31 =	sand.u32 $0x1C00, s19;
	v19 =	vshll.u32 v19, $0x1;
	v17 =	vor.u32 v18, v17;
	v18 =	vshll.u32 v23, $0x1;
	v16 =	vld [tilespmem:s0+$0xA030];
	s0 =	sand.u32 $0x180, s30  }
0x1e9: {  	v11 =	vshrl.u32 v11, $0x2;
	[tilespmem:v12+s12+$0x0] =	vst.idx.add.s32.msk $0xffff, v2;
	v12 =	vand.u32 $0x1C0, v19;
	v19 =	vshrl.u32 v24, $0x2;
	s20 =	sor.u32 s31, s0  }
0x1ea: {  	v18 =	vand.u32 $0x1C0, v18;
	v11 =	vand.u32 $0x38, v11;
	v19 =	vand.u32 $0x38, v19;
	v50 =	vld [tilespmem:s20+$0x8270]  }
0x1eb: {  	v11 =	vor.u32 v11, v12;
	v12 =	vor.u32 v19, v18;
	v19 =	vld [tilespmem:s20+$0xA070]  }
0x1ec: {  	v54 =	vshra.s32 v25, $0x5;
	v13 =	vshll.u32 v13, $0x1;
	[tilespmem:v10+s12+$0x0] =	vst.idx.add.s32.msk $0xffff, v2  }
0x1ed: {  	v22 =	vshra.s32 v49, $0x5;
	v13 =	vand.u32 $0x1C0, v13;
	v10 =	vshrl.u32 v20, $0x2;
	v20 =	vld [tilespmem:s20+$0x8070]  }
0x1ee: {  	v18 =	vshra.s32 v48, $0x5;
	v52 =	vld [tilespmem:s20+$0x8020];
	v15 =	vshll.u32 v15, $0x1;
	v14 =	vshrl.u32 v14, $0x2  }
0x1ef: {  	v12 =	vadd.s32 v12, v54;
	v53 =	vld [tilespmem:s20+$0x8220];
	v15 =	vand.u32 $0x1C0, v15;
	v14 =	vand.u32 $0x38, v14  }
0x1f0: {  	v17 =	vadd.s32 v17, v18;
	v58 =	vadd.s32 v7, v12;
	v12 =	vld [tilespmem:s20+$0x8040];
	v14 =	vor.u32 v14, v15  }
0x1f1: {  	v18 =	vld [tilespmem:s20+$0x8200];
	v15 =	vshra.s32 v16, $0x5;
	v16 =	vadd.s32 v4, v17;
	v10 =	vand.u32 $0x38, v10  }
0x1f2: {  	v17 =	vld [tilespmem:s20+$0x8010];
	v11 =	vadd.s32 v11, v15;
	v51 =	vshrl.u32 v50, $0x2;
	v20 =	vshll.u32 v20, $0x1  }
0x1f3: {  	v10 =	vor.u32 v10, v13;
	v13 =	vld [tilespmem:s20+$0x8000];
	v21 =	vand.u32 $0x38, v51;
	v20 =	vand.u32 $0x1C0, v20  }
0x1f4: {  	v15 =	vld [tilespmem:s20+$0x8210];
	v19 =	vshra.s32 v19, $0x5;
	v23 =	vshll.u32 v52, $0x1;
	v20 =	vor.u32 v21, v20  }
0x1f5: {  	v55 =	vld [tilespmem:s20+$0x8030];
	v24 =	vshrl.u32 v53, $0x2;
	v12 =	vshll.u32 v12, $0x1;
	v19 =	vadd.s32 v20, v19  }
0x1f6: {  	v56 =	vld [tilespmem:s20+$0x8230];
	v11 =	vadd.s32 v5, v11;
	v10 =	vadd.s32 v10, v22;
	v19 =	vadd.s32 v9, v19  }
0x1f7: {  	v59 =	vld [tilespmem:s20+$0x8060];
	v57 =	vadd.s32 v6, v10;
	v17 =	vshll.u32 v17, $0x1;
	v20 =	vshra.s32 v26, $0x5  }
0x1f8: {  	v13 =	vshll.u32 v13, $0x1;
	v10 =	vadd.s32 v14, v20;
	v14 =	vshrl.u32 v18, $0x2;
	v18 =	vld [tilespmem:s20+$0x8240]  }
0x1f9: {  	v15 =	vshrl.u32 v15, $0x2;
	v13 =	vand.u32 $0x1C0, v13;
	v20 =	vld [tilespmem:s20+$0x8050];
	v14 =	vand.u32 $0x38, v14  }
0x1fa: {  	v15 =	vand.u32 $0x38, v15;
	v14 =	vor.u32 v14, v13;
	v13 =	vand.u32 $0x1C0, v17;
	v17 =	vld [tilespmem:s20+$0x8250]  }
0x1fb: {  	[tilespmem:v19+s12+$0x0] =	vst.idx.add.s32.msk $0xffff, v2;
	v19 =	vor.u32 v15, v13;
	v13 =	vand.u32 $0x1C0, v23;
	v15 =	vand.u32 $0x38, v24  }
0x1fc: {  	v22 =	vshll.u32 v55, $0x1;
	v24 =	vor.u32 v15, v13;
	v13 =	vshrl.u32 v56, $0x2;
	v15 =	vld [tilespmem:s20+$0x8260]  }
0x1fd: {  	v61 =	vld [tilespmem:s20+$0xA000];
	v12 =	vand.u32 $0x1C0, v12;
	v60 =	vand.u32 $0x1C0, v22;
	v13 =	vand.u32 $0x38, v13  }
0x1fe: {  	v10 =	vadd.s32 v8, v10;
	v21 =	vor.u32 v13, v60;
	v13 =	vshrl.u32 v18, $0x2;
	v18 =	vld [tilespmem:s20+$0xA010]  }
0x1ff: {  	v27 =	vld [tilespmem:s20+$0xA020];
	v20 =	vshll.u32 v20, $0x1;
	v17 =	vshrl.u32 v17, $0x2;
	v13 =	vand.u32 $0x38, v13  }
0x200: {  	v28 =	vor.u32 v13, v12;
	v12 =	vand.u32 $0x1C0, v20;
	v13 =	vand.u32 $0x38, v17;
	v20 =	vld [tilespmem:s20+$0xA030]  }
0x201: {  	v62 =	vld [tilespmem:s20+$0xA040];
	v13 =	vor.u32 v13, v12;
	v12 =	vshll.u32 v59, $0x1;
	v15 =	vshrl.u32 v15, $0x2  }
0x202: {  	v63 =	vld [tilespmem:s20+$0xA050];
	v17 =	vshra.s32 v61, $0x5;
	v12 =	vand.u32 $0x1C0, v12;
	v15 =	vand.u32 $0x38, v15  }
0x203: {  	v29 =	vadd.s32 v14, v17;
	v17 =	vld [tilespmem:s20+$0xA060];
	v18 =	vshra.s32 v18, $0x5;
	v14 =	vor.u32 v15, v12  }
0x204: {  	[tilespmem:v58+s12+$0x0] =	vst.idx.add.s32.msk $0xffff, v2;
	v15 =	vadd.s32 v0, v29;
	v12 =	vadd.s32 v19, v18;
	v18 =	vshra.s32 v27, $0x5  }
0x205: {  	[tilespmem:v16+s12+$0x0] =	vst.idx.add.s32.msk $0xffff, v2;
	v16 =	vadd.s32 v3, v12;
	v12 =	vadd.s32 v24, v18;
	v18 =	vshra.s32 v20, $0x5  }
0x206: {  	[tilespmem:v11+s12+$0x0] =	vst.idx.add.s32.msk $0xffff, v2;
	v11 =	vadd.s32 v4, v12;
	v12 =	vadd.s32 v21, v18;
	v18 =	vshra.s32 v62, $0x5  }
0x207: {  	s21 =	simm.s32 $0x80;
	[tilespmem:v57+s12+$0x0] =	vst.idx.add.s32.msk $0xffff, v2;
	s20 =	simm.s32 $0x8;
	v19 =	vshra.s32 v63, $0x5;
	v12 =	vadd.s32 v5, v12;
	v18 =	vadd.s32 v28, v18  }
.LBB2_28:
0x208: {  	s0 =	sshrl.u32 s21, $0x2;
	v18 =	vadd.s32 v6, v18;
	v13 =	vadd.s32 v13, v19;
	v17 =	vshra.s32 v17, $0x5;
	s19 =	sadd.s32 $0x400, s19;
	[tilespmem:v10+s12+$0x0] =	vst.idx.add.s32.msk $0xffff, v2  }
0x209: {  	s20 =	sadd.s32 $0x8, s20;
	s2 =	sand.u32 $0x1C00, s19;
	s0 =	sand.u32 $0x180, s0;
	[tilespmem:v15+s12+$0x0] =	vst.idx.add.s32.msk $0xffff, v2;
	v20 =	vadd.s32 v7, v13;
	v10 =	vadd.s32 v14, v17  }
0x20a: {  	p0 =	slt.u32 s20, $0xF8;
	s22 =	sor.u32 s2, s0;
	[tilespmem:v16+s12+$0x0] =	vst.idx.add.s32.msk $0xffff, v2;
	v10 =	vadd.s32 v8, v10  }
0x20b: {  	v13 =	vld [tilespmem:s22+$0x8070]  }
0x20c: {  	v14 =	vld [tilespmem:s22+$0x8270]  }
0x20d: {  	v15 =	vld [tilespmem:s22+$0x8000]  }
0x20e: {  	v16 =	vld [tilespmem:s22+$0xA070]  }
0x20f: {  	v17 =	vld [tilespmem:s22+$0x8200]  }
0x210: {  	v19 =	vld [tilespmem:s22+$0x8010]  }
0x211: {  	v13 =	vshll.u32 v13, $0x1;
	v21 =	vld [tilespmem:s22+$0x8210];
	v14 =	vshrl.u32 v14, $0x2  }
0x212: {  	v13 =	vand.u32 $0x1C0, v13;
	v15 =	vshll.u32 v15, $0x1;
	v22 =	vld [tilespmem:s22+$0x8020];
	v14 =	vand.u32 $0x38, v14  }
0x213: {  	v15 =	vand.u32 $0x1C0, v15;
	v23 =	vld [tilespmem:s22+$0x8220];
	v16 =	vshra.s32 v16, $0x5;
	v13 =	vor.u32 v14, v13  }
0x214: {  	v14 =	vshrl.u32 v17, $0x2;
	v17 =	vld [tilespmem:s22+$0x8030];
	v13 =	vadd.s32 v13, v16  }
0x215: {  	v14 =	vand.u32 $0x38, v14;
	v16 =	vshll.u32 v19, $0x1;
	v19 =	vld [tilespmem:s22+$0x8230];
	v13 =	vadd.s32 v9, v13  }
0x216: {  	v14 =	vor.u32 v14, v15;
	v15 =	vand.u32 $0x1C0, v16;
	v16 =	vshrl.u32 v21, $0x2;
	v21 =	vld [tilespmem:s22+$0x8040]  }
0x217: {  	v16 =	vand.u32 $0x38, v16;
	v22 =	vshll.u32 v22, $0x1;
	v24 =	vld [tilespmem:s22+$0x8240]  }
0x218: {  	v16 =	vor.u32 v16, v15;
	v15 =	vand.u32 $0x1C0, v22;
	v22 =	vshrl.u32 v23, $0x2;
	v23 =	vld [tilespmem:s22+$0x8050]  }
0x219: {  	v22 =	vand.u32 $0x38, v22;
	v17 =	vshll.u32 v17, $0x1;
	v25 =	vld [tilespmem:s22+$0x8250]  }
0x21a: {  	v22 =	vor.u32 v22, v15;
	v15 =	vand.u32 $0x1C0, v17;
	v17 =	vshrl.u32 v19, $0x2;
	[tilespmem:v13+s12+$0x0] =	vst.idx.add.s32.msk $0xffff, v2  }
0x21b: {  	v13 =	vand.u32 $0x38, v17;
	v17 =	vshll.u32 v21, $0x1;
	v19 =	vld [tilespmem:s22+$0x8060]  }
0x21c: {  	v21 =	vor.u32 v13, v15;
	v13 =	vand.u32 $0x1C0, v17;
	v15 =	vshrl.u32 v24, $0x2;
	v17 =	vld [tilespmem:s22+$0x8260]  }
0x21d: {  	v24 =	vld [tilespmem:s22+$0xA000];
	v15 =	vand.u32 $0x38, v15;
	v23 =	vshll.u32 v23, $0x1  }
0x21e: {  	v26 =	vld [tilespmem:s22+$0xA010];
	v27 =	vor.u32 v15, v13;
	v13 =	vand.u32 $0x1C0, v23;
	v15 =	vshrl.u32 v25, $0x2  }
0x21f: {  	v23 =	vld [tilespmem:s22+$0xA020];
	v15 =	vand.u32 $0x38, v15  }
0x220: {  	v25 =	vld [tilespmem:s22+$0xA030];
	v13 =	vor.u32 v15, v13;
	v15 =	vshll.u32 v19, $0x1  }
0x221: {  	v19 =	vld [tilespmem:s22+$0xA040];
	v15 =	vand.u32 $0x1C0, v15;
	v17 =	vshrl.u32 v17, $0x2  }
0x222: {  	v24 =	vshra.s32 v24, $0x5;
	v28 =	vld [tilespmem:s22+$0xA050];
	v29 =	vand.u32 $0x38, v17  }
.Ltmp17:
0x223: {  	v24 =	vadd.s32 v14, v24;
	v26 =	vshra.s32 v26, $0x5;
	v17 =	vld [tilespmem:s22+$0xA060];
	v14 =	vor.u32 v29, v15;
	(pc) =	sbr.rel @p0 .LBB2_28-.Ltmp17, $4  }
0x224: {  	v15 =	vadd.s32 v0, v24;
	v16 =	vadd.s32 v16, v26;
	v23 =	vshra.s32 v23, $0x5;
	[tilespmem:v11+s12+$0x0] =	vst.idx.add.s32.msk $0xffff, v2  }
0x225: {  	v16 =	vadd.s32 v3, v16;
	v11 =	vadd.s32 v22, v23;
	v22 =	vshra.s32 v25, $0x5;
	[tilespmem:v12+s12+$0x0] =	vst.idx.add.s32.msk $0xffff, v2  }
0x226: {  	v11 =	vadd.s32 v4, v11;
	v12 =	vadd.s32 v21, v22;
	v19 =	vshra.s32 v19, $0x5;
	[tilespmem:v18+s12+$0x0] =	vst.idx.add.s32.msk $0xffff, v2  }
0x227: {  	s21 =	sadd.s32 $0x40, s21;
	v12 =	vadd.s32 v5, v12;
	v18 =	vadd.s32 v27, v19;
	v19 =	vshra.s32 v28, $0x5;
	[tilespmem:v20+s12+$0x0] =	vst.idx.add.s32.msk $0xffff, v2  }
0x228: {  	_ =	sdelay $0x3  }
0x229: {  	v18 =	vadd.s32 v6, v18;
	v13 =	vadd.s32 v13, v19;
	v17 =	vshra.s32 v17, $0x5;
	[tilespmem:v10+s12+$0x0] =	vst.idx.add.s32.msk $0xffff, v2  }
0x22a: {  	[tilespmem:v15+s12+$0x0] =	vst.idx.add.s32.msk $0xffff, v2;
	v10 =	vadd.s32 v7, v13;
	v63 =	vadd.s32 v14, v17  }
0x22b: {  	[tilespmem:v16+s12+$0x0] =	vst.idx.add.s32.msk $0xffff, v2;
	p1 =	sgt.u32 s18, $0x3C;
	v13 =	vadd.s32 v8, v63  }
.Ltmp18:
0x22c: {  	[tilespmem:v11+s12+$0x0] =	vst.idx.add.s32.msk $0xffff, v2;
	(pc) =	sbr.rel @p1 .LBB2_33-.Ltmp18, $4  }
0x22d: {  	[tilespmem:v12+s12+$0x0] =	vst.idx.add.s32.msk $0xffff, v2  }
0x22e: {  	[tilespmem:v18+s12+$0x0] =	vst.idx.add.s32.msk $0xffff, v2  }
0x22f: {  	[tilespmem:v10+s12+$0x0] =	vst.idx.add.s32.msk $0xffff, v2  }
0x230: {  	p0 =	por $0x1, $0x1;
	[tilespmem:v13+s12+$0x0] =	vst.idx.add.s32.msk $0xffff, v2  }
0x231: {  	s0 =	sadd.s32 $0x3, s18  }
0x232: {  	s2 =	sshrl.u32 s0, $0x1  }
0x233: {  	s2 =	sadd.s32 s4, s2  }
0x234: {  	s0 =	sshll.u32 s0, $0x4;
	s2 =	smul.u32 $0x60, s2  }
0x235: {  	s0 =	sand.u32 $0x10, s0  }
0x236: {  	s0 =	sor.u32 s2, s0  }
0x237: {  	s0 =	sor.u32 s5, s0  }
0x238: {  	s25 =	simm.s32 $0x0;
	s10 =	simm.s32 $0x8;
	[dreg:$0x4] =	wrdreg s0  }
0x239: {  	s22 =	simm.s32 $0x80;
	s9 =	sand.u32 $0x60, s25;
	s0 =	rddreg [dreg:$0x4]  }
0x23a: {  	s23 =	simm.s32 $0x400;
	s26 =	sand.u32 $0xC, s25;
	s0 =	sadd.s32 s9, s0  }
0x23b: {  	s24 =	simm.s32 $0x4;
	s19 =	sand.u32 $0x2000, s25;
	s0 =	sor.u32 s26, s0  }
0x23c: {  	s21 =	sand.u32 $0x60, s10;
	s2 =	sand.u32 $0x380, s25;
	s0 =	sshll.u32 s0, $0x7  }
0x23d: {  	s28 =	sand.u32 $0x380, s22;
	s20 =	sor.u32 s2, s19;
	s0 =	sand.u32 $0x1FFFFF80, s0  }
0x23e: {  	s2 =	sor.u32 $0x8000, s20;
	s25 =	sor.u32 $0x8800, s20;
	s19 =	sadd.s32 s1, s0  }
0x23f: {  	[tilespmem:s2], [sflag:$0x3] =	stream.linear.gather [hbm4b:s19+s3], $0x80, $0x38;
	[tilespmem:$0x1C000] =	vst v63  }
0x240: {  	s26 =	simm.s32 $0x10;
	s0 =	rddreg [dreg:$0x4];
	s9 =	sadd.s32 $0x10, s19  }
0x241: {  	s2 =	sor.u32 $0x8400, s20;
	s10 =	sadd.s32 $0x20, s19;
	s31 =	sadd.s32 $0x40, s19  }
0x242: {  	[tilespmem:s2], [sflag:$0x3] =	stream.linear.gather [hbm4b:s9+s3], $0x80, $0x38;
	[tilespmem:$0x1C000] =	vst v63  }
0x243: {  	s30 =	sadd.s32 $0x50, s19;
	s29 =	sadd.s32 $0x60, s19;
	s9 =	sadd.s32 $0x30, s19  }
0x244: {  	[tilespmem:s25], [sflag:$0x3] =	stream.linear.gather [hbm4b:s10+s3], $0x80, $0x38;
	[tilespmem:$0x1C000] =	vst v63  }
0x245: {  	s2 =	sor.u32 $0x9000, s20;
	s25 =	sand.u32 $0x2000, s23;
	s10 =	sor.u32 $0x8C00, s20  }
0x246: {  	[tilespmem:s10], [sflag:$0x3] =	stream.linear.gather [hbm4b:s9+s3], $0x80, $0x38;
	[tilespmem:$0x1C000] =	vst v63  }
.LBB2_31:
0x247: {  	[tilespmem:s2], [sflag:$0x3] =	stream.linear.gather [hbm4b:s31+s3], $0x80, $0x38;
	[tilespmem:$0x1C000] =	vst v63  }
0x248: {  	s10 =	smov.u32 s26  }
0x249: {  	s0 =	sadd.s32 s21, s0;
	s21 =	sand.u32 $0x60, s26;
	s2 =	sand.u32 $0xC, s24  }
0x24a: {  	s9 =	sadd.s32 $0x8, s26;
	s31 =	sor.u32 $0x9C00, s20;
	p1 =	sne.s32 s26, $0x58  }
0x24b: {  	s22 =	sadd.s32 $0x80, s22;
	s23 =	sadd.s32 $0x400, s23;
	s0 =	sor.u32 s2, s0  }
0x24c: {  	s24 =	sadd.s32 $0x4, s24;
	s2 =	sor.u32 $0x9400, s20;
	s0 =	sshll.u32 s0, $0x7  }
0x24d: {  	[tilespmem:s2], [sflag:$0x3] =	stream.linear.gather [hbm4b:s30+s3], $0x80, $0x38;
	[tilespmem:$0x1C000] =	vst v63  }
0x24e: {  	s10 =	sor.u32 $0x9800, s20;
	s20 =	sor.u32 s28, s25;
	s0 =	sand.u32 $0x1FFFFF80, s0  }
0x24f: {  	[tilespmem:s10], [sflag:$0x3] =	stream.linear.gather [hbm4b:s29+s3], $0x80, $0x38;
	[tilespmem:$0x1C000] =	vst v63  }
0x250: {  	s25 =	sadd.s32 $0x70, s19;
	s28 =	sand.u32 $0x380, s22;
	s19 =	sadd.s32 s1, s0  }
0x251: {  	[tilespmem:s31], [sflag:$0x3] =	stream.linear.gather [hbm4b:s25+s3], $0x80, $0x38;
	[tilespmem:$0x1C000] =	vst v63  }
0x252: {  	s26 =	sor.u32 $0x8000, s20;
	s10 =	sor.u32 $0x8400, s20;
	s2 =	sadd.s32 $0x20, s19  }
0x253: {  	[tilespmem:s26], [sflag:$0x3] =	stream.linear.gather [hbm4b:s19+s3], $0x80, $0x38;
	[tilespmem:$0x1C000] =	vst v63  }
0x254: {  	s0 =	sadd.s32 $0x10, s19;
	s30 =	sadd.s32 $0x50, s19;
	s29 =	sadd.s32 $0x60, s19  }
0x255: {  	[tilespmem:s10], [sflag:$0x3] =	stream.linear.gather [hbm4b:s0+s3], $0x80, $0x38;
	[tilespmem:$0x1C000] =	vst v63  }
.Ltmp19:
0x256: {  	s25 =	sand.u32 $0x2000, s23;
	s10 =	sor.u32 $0x8800, s20;
	(pc) =	sbr.rel @p1 .LBB2_31-.Ltmp19, $4  }
0x257: {  	[tilespmem:s10], [sflag:$0x3] =	stream.linear.gather [hbm4b:s2+s3], $0x80, $0x38;
	[tilespmem:$0x1C000] =	vst v63  }
0x258: {  	s31 =	sadd.s32 $0x40, s19;
	s26 =	sadd.s32 $0x30, s19;
	s10 =	sor.u32 $0x8C00, s20  }
0x259: {  	[tilespmem:s10], [sflag:$0x3] =	stream.linear.gather [hbm4b:s26+s3], $0x80, $0x38;
	[tilespmem:$0x1C000] =	vst v63  }
0x25a: {  	s0 =	rddreg [dreg:$0x4];
	s2 =	sor.u32 $0x9000, s20;
	s26 =	smov.u32 s9  }
0x25b: {  	[tilespmem:s2], [sflag:$0x3] =	stream.linear.gather [hbm4b:s31+s3], $0x80, $0x38;
	[tilespmem:$0x1C000] =	vst v63  }
0x25c: {  	s0 =	sadd.s32 s21, s0;
	s24 =	sand.u32 $0xC, s24  }
0x25d: {  	s26 =	sor.u32 $0x9400, s20;
	s0 =	sor.u32 s24, s0  }
0x25e: {  	[tilespmem:s26], [sflag:$0x3] =	stream.linear.gather [hbm4b:s30+s3], $0x80, $0x38;
	[tilespmem:$0x1C000] =	vst v63  }
0x25f: {  	s31 =	sor.u32 $0x9800, s20;
	s9 =	sor.u32 $0x9C00, s20;
	s0 =	sshll.u32 s0, $0x7  }
0x260: {  	[tilespmem:s31], [sflag:$0x3] =	stream.linear.gather [hbm4b:s29+s3], $0x80, $0x38;
	[tilespmem:$0x1C000] =	vst v63  }
0x261: {  	s2 =	sor.u32 s28, s25;
	s10 =	sadd.s32 $0x70, s19;
	s0 =	sand.u32 $0x1FFFFF80, s0  }
0x262: {  	[tilespmem:s9], [sflag:$0x3] =	stream.linear.gather [hbm4b:s10+s3], $0x80, $0x38;
	[tilespmem:$0x1C000] =	vst v63  }
0x263: {  	s0 =	sadd.s32 s1, s0;
	s10 =	sor.u32 $0x8000, s2  }
0x264: {  	[tilespmem:s10], [sflag:$0x3] =	stream.linear.gather [hbm4b:s0+s3], $0x80, $0x38;
	[tilespmem:$0x1C000] =	vst v63  }
0x265: {  	s20 =	sor.u32 $0x8400, s2;
	s19 =	sadd.s32 $0x10, s0  }
0x266: {  	[tilespmem:s20], [sflag:$0x3] =	stream.linear.gather [hbm4b:s19+s3], $0x80, $0x38;
	[tilespmem:$0x1C000] =	vst v63  }
0x267: {  	s22 =	sor.u32 $0x8800, s2;
	s21 =	sadd.s32 $0x20, s0  }
0x268: {  	[tilespmem:s22], [sflag:$0x3] =	stream.linear.gather [hbm4b:s21+s3], $0x80, $0x38;
	[tilespmem:$0x1C000] =	vst v63  }
0x269: {  	s24 =	sor.u32 $0x8C00, s2;
	s23 =	sadd.s32 $0x30, s0  }
0x26a: {  	[tilespmem:s24], [sflag:$0x3] =	stream.linear.gather [hbm4b:s23+s3], $0x80, $0x38;
	[tilespmem:$0x1C000] =	vst v63  }
0x26b: {  	s26 =	sor.u32 $0x9000, s2;
	s25 =	sadd.s32 $0x40, s0  }
0x26c: {  	[tilespmem:s26], [sflag:$0x3] =	stream.linear.gather [hbm4b:s25+s3], $0x80, $0x38;
	[tilespmem:$0x1C000] =	vst v63  }
0x26d: {  	s29 =	sor.u32 $0x9400, s2;
	s28 =	sadd.s32 $0x50, s0  }
0x26e: {  	[tilespmem:s29], [sflag:$0x3] =	stream.linear.gather [hbm4b:s28+s3], $0x80, $0x38;
	[tilespmem:$0x1C000] =	vst v63  }
.Ltmp20:
0x26f: {  	_ = 	snop;
	(pc) =	sbr.rel .LBB2_33-.Ltmp20, $4  }
0x270: {  	s31 =	sor.u32 $0x9800, s2;
	s30 =	sadd.s32 $0x60, s0  }
0x271: {  	[tilespmem:s31], [sflag:$0x3] =	stream.linear.gather [hbm4b:s30+s3], $0x80, $0x38;
	[tilespmem:$0x1C000] =	vst v63  }
0x272: {  	s2 =	sor.u32 $0x9C00, s2;
	s0 =	sadd.s32 $0x70, s0  }
0x273: {  	[tilespmem:s2], [sflag:$0x3] =	stream.linear.gather [hbm4b:s0+s3], $0x80, $0x38;
	[tilespmem:$0x1C000] =	vst v63  }
.LBB2_21:
0x274: {  	_ =	swait.ge [sflag:s11], $0x400  }
0x275: {  	[sflag:s11] =	ssyncset.done $0x0  }
0x276: {  	[sflag:s11] =	ssyncadd.s32 $0xFFFFFC00  }
0x277: {  	_ =	swait.ge [sflag:s11], $0x400  }
0x278: {  	[sflag:s11] =	ssyncset.done $0x0  }
0x279: {  	[sflag:s11] =	ssyncadd.s32 $0xFFFFFC00  }
0x27a: {  	_ =	swait.ge [sflag:s11], $0x400  }
0x27b: {  	[sflag:s11] =	ssyncset.done $0x0  }
0x27c: {  	[sflag:s11] =	ssyncadd.s32 $0xFFFFFC00  }
0x27d: {  	_ =	swait.ge [sflag:s11], $0x400  }
0x27e: {  	[sflag:s11] =	ssyncset.done $0x0  }
0x27f: {  	[sflag:s11] =	ssyncadd.s32 $0xFFFFFC00  }
0x280: {  	_ =	swait.ge [sflag:s11], $0x400  }
0x281: {  	[sflag:s11] =	ssyncset.done $0x0  }
0x282: {  	[sflag:s11] =	ssyncadd.s32 $0xFFFFFC00  }
0x283: {  	_ =	swait.ge [sflag:s11], $0x400  }
0x284: {  	[sflag:s11] =	ssyncset.done $0x0  }
0x285: {  	[sflag:s11] =	ssyncadd.s32 $0xFFFFFC00  }
0x286: {  	_ =	swait.ge [sflag:s11], $0x400  }
0x287: {  	[sflag:s11] =	ssyncset.done $0x0  }
0x288: {  	[sflag:s11] =	ssyncadd.s32 $0xFFFFFC00  }
0x289: {  	_ =	swait.ge [sflag:s11], $0x400  }
0x28a: {  	[sflag:s11] =	ssyncset.done $0x0  }
0x28b: {  	[sflag:s11] =	ssyncadd.s32 $0xFFFFFC00  }
0x28c: {  	_ =	swait.ge [sflag:s11], $0x400  }
0x28d: {  	[sflag:s11] =	ssyncset.done $0x0  }
0x28e: {  	[sflag:s11] =	ssyncadd.s32 $0xFFFFFC00  }
0x28f: {  	_ =	swait.ge [sflag:s11], $0x400  }
0x290: {  	[sflag:s11] =	ssyncset.done $0x0  }
0x291: {  	[sflag:s11] =	ssyncadd.s32 $0xFFFFFC00  }
0x292: {  	_ =	swait.ge [sflag:s11], $0x400  }
0x293: {  	[sflag:s11] =	ssyncset.done $0x0  }
0x294: {  	[sflag:s11] =	ssyncadd.s32 $0xFFFFFC00  }
0x295: {  	s0 =	simm.s32 $0x0;
	s2 =	simm.s32 $0x0;
	_ =	swait.ge [sflag:s11], $0x400  }
0x296: {  	s0 =	sand.u32 $0x1C00, s0;
	s2 =	sand.u32 $0x180, s2;
	[sflag:s11] =	ssyncset.done $0x0  }
0x297: {  	s0 =	sor.u32 s0, s2;
	[sflag:s11] =	ssyncadd.s32 $0xFFFFFC00  }
0x298: {  	v10 =	vld [tilespmem:s0+$0x70]  }
0x299: {  	v11 =	vld [tilespmem:s0+$0x270]  }
0x29a: {  	v12 =	vld [tilespmem:s0+$0x0]  }
0x29b: {  	v13 =	vld [tilespmem:s0+$0x2070]  }
0x29c: {  	v14 =	vld [tilespmem:s0+$0x200]  }
0x29d: {  	v15 =	vld [tilespmem:s0+$0x10]  }
0x29e: {  	v16 =	vld [tilespmem:s0+$0x210]  }
0x29f: {  	v17 =	vld [tilespmem:s0+$0x20]  }
0x2a0: {  	v18 =	vld [tilespmem:s0+$0x220]  }
0x2a1: {  	v19 =	vld [tilespmem:s0+$0x30]  }
0x2a2: {  	v20 =	vld [tilespmem:s0+$0x240]  }
0x2a3: {  	v21 =	vld [tilespmem:s0+$0x2000];
	v10 =	vshll.u32 v10, $0x1;
	v11 =	vshrl.u32 v11, $0x2  }
0x2a4: {  	v22 =	vld [tilespmem:s0+$0x2010];
	v10 =	vand.u32 $0x1C0, v10;
	v11 =	vand.u32 $0x38, v11  }
0x2a5: {  	v23 =	vld [tilespmem:s0+$0x50];
	v13 =	vshra.s32 v13, $0x5;
	v10 =	vor.u32 v11, v10  }
0x2a6: {  	v24 =	vld [tilespmem:s0+$0x250];
	v10 =	vadd.s32 v10, v13  }
0x2a7: {  	v48 =	vld [tilespmem:s0+$0x2020];
	v10 =	vadd.s32 v9, v10  }
0x2a8: {  	v49 =	vld [tilespmem:s0+$0x2040];
	v12 =	vshll.u32 v12, $0x1;
	v14 =	vshrl.u32 v14, $0x2  }
0x2a9: {  	v25 =	vld [tilespmem:s0+$0x2050];
	v12 =	vand.u32 $0x1C0, v12;
	v14 =	vand.u32 $0x38, v14  }
0x2aa: {  	v26 =	vld [tilespmem:s0+$0x2060];
	v12 =	vor.u32 v14, v12;
	v14 =	vshrl.u32 v16, $0x2;
	v16 =	vshra.s32 v21, $0x5  }
0x2ab: {  	v15 =	vshll.u32 v15, $0x1;
	v11 =	vld [tilespmem:s0+$0x230];
	v12 =	vadd.s32 v12, v16  }
0x2ac: {  	v14 =	vand.u32 $0x38, v14;
	v12 =	vadd.s32 v0, v12;
	[tilespmem:v10+s12+$0x0] =	vst.idx.add.s32.msk $0xffff, v2;
	v10 =	vand.u32 $0x1C0, v15  }
0x2ad: {  	v13 =	vld [tilespmem:s0+$0x40];
	v16 =	vshra.s32 v22, $0x5;
	v10 =	vor.u32 v14, v10  }
0x2ae: {  	v17 =	vshll.u32 v17, $0x1;
	v18 =	vshrl.u32 v18, $0x2;
	v15 =	vld [tilespmem:s0+$0x60];
	v10 =	vadd.s32 v10, v16  }
0x2af: {  	s30 =	simm.s32 $0x10;
	s19 =	simm.s32 $0x400;
	v17 =	vand.u32 $0x1C0, v17;
	v18 =	vand.u32 $0x38, v18;
	v14 =	vld [tilespmem:s0+$0x260];
	v10 =	vadd.s32 v3, v10  }
0x2b0: {  	s31 =	sand.u32 $0x1C00, s19;
	v19 =	vshll.u32 v19, $0x1;
	v17 =	vor.u32 v18, v17;
	v18 =	vshll.u32 v23, $0x1;
	v16 =	vld [tilespmem:s0+$0x2030];
	s0 =	sand.u32 $0x180, s30  }
0x2b1: {  	v11 =	vshrl.u32 v11, $0x2;
	[tilespmem:v12+s12+$0x0] =	vst.idx.add.s32.msk $0xffff, v2;
	v12 =	vand.u32 $0x1C0, v19;
	v19 =	vshrl.u32 v24, $0x2;
	s20 =	sor.u32 s31, s0  }
0x2b2: {  	v18 =	vand.u32 $0x1C0, v18;
	v11 =	vand.u32 $0x38, v11;
	v19 =	vand.u32 $0x38, v19;
	v50 =	vld [tilespmem:s20+$0x270]  }
0x2b3: {  	v11 =	vor.u32 v11, v12;
	v12 =	vor.u32 v19, v18;
	v19 =	vld [tilespmem:s20+$0x2070]  }
0x2b4: {  	v54 =	vshra.s32 v25, $0x5;
	v13 =	vshll.u32 v13, $0x1;
	[tilespmem:v10+s12+$0x0] =	vst.idx.add.s32.msk $0xffff, v2  }
0x2b5: {  	v22 =	vshra.s32 v49, $0x5;
	v13 =	vand.u32 $0x1C0, v13;
	v10 =	vshrl.u32 v20, $0x2;
	v20 =	vld [tilespmem:s20+$0x70]  }
0x2b6: {  	v18 =	vshra.s32 v48, $0x5;
	v52 =	vld [tilespmem:s20+$0x20];
	v15 =	vshll.u32 v15, $0x1;
	v14 =	vshrl.u32 v14, $0x2  }
0x2b7: {  	v12 =	vadd.s32 v12, v54;
	v53 =	vld [tilespmem:s20+$0x220];
	v15 =	vand.u32 $0x1C0, v15;
	v14 =	vand.u32 $0x38, v14  }
0x2b8: {  	v17 =	vadd.s32 v17, v18;
	v58 =	vadd.s32 v7, v12;
	v12 =	vld [tilespmem:s20+$0x40];
	v14 =	vor.u32 v14, v15  }
0x2b9: {  	v18 =	vld [tilespmem:s20+$0x200];
	v15 =	vshra.s32 v16, $0x5;
	v16 =	vadd.s32 v4, v17;
	v10 =	vand.u32 $0x38, v10  }
0x2ba: {  	v17 =	vld [tilespmem:s20+$0x10];
	v11 =	vadd.s32 v11, v15;
	v51 =	vshrl.u32 v50, $0x2;
	v20 =	vshll.u32 v20, $0x1  }
0x2bb: {  	v10 =	vor.u32 v10, v13;
	v13 =	vld [tilespmem:s20+$0x0];
	v21 =	vand.u32 $0x38, v51;
	v20 =	vand.u32 $0x1C0, v20  }
0x2bc: {  	v15 =	vld [tilespmem:s20+$0x210];
	v19 =	vshra.s32 v19, $0x5;
	v23 =	vshll.u32 v52, $0x1;
	v20 =	vor.u32 v21, v20  }
0x2bd: {  	v55 =	vld [tilespmem:s20+$0x30];
	v24 =	vshrl.u32 v53, $0x2;
	v12 =	vshll.u32 v12, $0x1;
	v19 =	vadd.s32 v20, v19  }
0x2be: {  	v56 =	vld [tilespmem:s20+$0x230];
	v11 =	vadd.s32 v5, v11;
	v10 =	vadd.s32 v10, v22;
	v19 =	vadd.s32 v9, v19  }
0x2bf: {  	v59 =	vld [tilespmem:s20+$0x60];
	v57 =	vadd.s32 v6, v10;
	v17 =	vshll.u32 v17, $0x1;
	v20 =	vshra.s32 v26, $0x5  }
0x2c0: {  	v13 =	vshll.u32 v13, $0x1;
	v10 =	vadd.s32 v14, v20;
	v14 =	vshrl.u32 v18, $0x2;
	v18 =	vld [tilespmem:s20+$0x240]  }
0x2c1: {  	v15 =	vshrl.u32 v15, $0x2;
	v13 =	vand.u32 $0x1C0, v13;
	v20 =	vld [tilespmem:s20+$0x50];
	v14 =	vand.u32 $0x38, v14  }
0x2c2: {  	v15 =	vand.u32 $0x38, v15;
	v14 =	vor.u32 v14, v13;
	v13 =	vand.u32 $0x1C0, v17;
	v17 =	vld [tilespmem:s20+$0x250]  }
0x2c3: {  	[tilespmem:v19+s12+$0x0] =	vst.idx.add.s32.msk $0xffff, v2;
	v19 =	vor.u32 v15, v13;
	v13 =	vand.u32 $0x1C0, v23;
	v15 =	vand.u32 $0x38, v24  }
0x2c4: {  	v22 =	vshll.u32 v55, $0x1;
	v24 =	vor.u32 v15, v13;
	v13 =	vshrl.u32 v56, $0x2;
	v15 =	vld [tilespmem:s20+$0x260]  }
0x2c5: {  	v61 =	vld [tilespmem:s20+$0x2000];
	v12 =	vand.u32 $0x1C0, v12;
	v60 =	vand.u32 $0x1C0, v22;
	v13 =	vand.u32 $0x38, v13  }
0x2c6: {  	v10 =	vadd.s32 v8, v10;
	v21 =	vor.u32 v13, v60;
	v13 =	vshrl.u32 v18, $0x2;
	v18 =	vld [tilespmem:s20+$0x2010]  }
0x2c7: {  	v27 =	vld [tilespmem:s20+$0x2020];
	v20 =	vshll.u32 v20, $0x1;
	v17 =	vshrl.u32 v17, $0x2;
	v13 =	vand.u32 $0x38, v13  }
0x2c8: {  	v28 =	vor.u32 v13, v12;
	v12 =	vand.u32 $0x1C0, v20;
	v13 =	vand.u32 $0x38, v17;
	v20 =	vld [tilespmem:s20+$0x2030]  }
0x2c9: {  	v62 =	vld [tilespmem:s20+$0x2040];
	v13 =	vor.u32 v13, v12;
	v12 =	vshll.u32 v59, $0x1;
	v15 =	vshrl.u32 v15, $0x2  }
0x2ca: {  	v63 =	vld [tilespmem:s20+$0x2050];
	v17 =	vshra.s32 v61, $0x5;
	v12 =	vand.u32 $0x1C0, v12;
	v15 =	vand.u32 $0x38, v15  }
0x2cb: {  	v29 =	vadd.s32 v14, v17;
	v17 =	vld [tilespmem:s20+$0x2060];
	v18 =	vshra.s32 v18, $0x5;
	v14 =	vor.u32 v15, v12  }
0x2cc: {  	[tilespmem:v58+s12+$0x0] =	vst.idx.add.s32.msk $0xffff, v2;
	v15 =	vadd.s32 v0, v29;
	v12 =	vadd.s32 v19, v18;
	v18 =	vshra.s32 v27, $0x5  }
0x2cd: {  	[tilespmem:v16+s12+$0x0] =	vst.idx.add.s32.msk $0xffff, v2;
	v16 =	vadd.s32 v3, v12;
	v12 =	vadd.s32 v24, v18;
	v18 =	vshra.s32 v20, $0x5  }
0x2ce: {  	[tilespmem:v11+s12+$0x0] =	vst.idx.add.s32.msk $0xffff, v2;
	v11 =	vadd.s32 v4, v12;
	v12 =	vadd.s32 v21, v18;
	v18 =	vshra.s32 v62, $0x5  }
0x2cf: {  	s21 =	simm.s32 $0x80;
	[tilespmem:v57+s12+$0x0] =	vst.idx.add.s32.msk $0xffff, v2;
	s20 =	simm.s32 $0x8;
	v19 =	vshra.s32 v63, $0x5;
	v12 =	vadd.s32 v5, v12;
	v18 =	vadd.s32 v28, v18  }
.LBB2_22:
0x2d0: {  	s0 =	sshrl.u32 s21, $0x2;
	v18 =	vadd.s32 v6, v18;
	v13 =	vadd.s32 v13, v19;
	v17 =	vshra.s32 v17, $0x5;
	s19 =	sadd.s32 $0x400, s19;
	[tilespmem:v10+s12+$0x0] =	vst.idx.add.s32.msk $0xffff, v2  }
0x2d1: {  	s20 =	sadd.s32 $0x8, s20;
	s2 =	sand.u32 $0x1C00, s19;
	s0 =	sand.u32 $0x180, s0;
	[tilespmem:v15+s12+$0x0] =	vst.idx.add.s32.msk $0xffff, v2;
	v20 =	vadd.s32 v7, v13;
	v10 =	vadd.s32 v14, v17  }
0x2d2: {  	p1 =	slt.u32 s20, $0xF8;
	s22 =	sor.u32 s2, s0;
	[tilespmem:v16+s12+$0x0] =	vst.idx.add.s32.msk $0xffff, v2;
	v10 =	vadd.s32 v8, v10  }
0x2d3: {  	v13 =	vld [tilespmem:s22+$0x70]  }
0x2d4: {  	v14 =	vld [tilespmem:s22+$0x270]  }
0x2d5: {  	v15 =	vld [tilespmem:s22+$0x0]  }
0x2d6: {  	v16 =	vld [tilespmem:s22+$0x2070]  }
0x2d7: {  	v17 =	vld [tilespmem:s22+$0x200]  }
0x2d8: {  	v19 =	vld [tilespmem:s22+$0x10]  }
0x2d9: {  	v13 =	vshll.u32 v13, $0x1;
	v21 =	vld [tilespmem:s22+$0x210];
	v14 =	vshrl.u32 v14, $0x2  }
0x2da: {  	v13 =	vand.u32 $0x1C0, v13;
	v15 =	vshll.u32 v15, $0x1;
	v22 =	vld [tilespmem:s22+$0x20];
	v14 =	vand.u32 $0x38, v14  }
0x2db: {  	v15 =	vand.u32 $0x1C0, v15;
	v23 =	vld [tilespmem:s22+$0x220];
	v16 =	vshra.s32 v16, $0x5;
	v13 =	vor.u32 v14, v13  }
0x2dc: {  	v14 =	vshrl.u32 v17, $0x2;
	v17 =	vld [tilespmem:s22+$0x30];
	v13 =	vadd.s32 v13, v16  }
0x2dd: {  	v14 =	vand.u32 $0x38, v14;
	v16 =	vshll.u32 v19, $0x1;
	v19 =	vld [tilespmem:s22+$0x230];
	v13 =	vadd.s32 v9, v13  }
0x2de: {  	v14 =	vor.u32 v14, v15;
	v15 =	vand.u32 $0x1C0, v16;
	v16 =	vshrl.u32 v21, $0x2;
	v21 =	vld [tilespmem:s22+$0x40]  }
0x2df: {  	v16 =	vand.u32 $0x38, v16;
	v22 =	vshll.u32 v22, $0x1;
	v24 =	vld [tilespmem:s22+$0x240]  }
0x2e0: {  	v16 =	vor.u32 v16, v15;
	v15 =	vand.u32 $0x1C0, v22;
	v22 =	vshrl.u32 v23, $0x2;
	v23 =	vld [tilespmem:s22+$0x50]  }
0x2e1: {  	v22 =	vand.u32 $0x38, v22;
	v17 =	vshll.u32 v17, $0x1;
	v25 =	vld [tilespmem:s22+$0x250]  }
0x2e2: {  	v22 =	vor.u32 v22, v15;
	v15 =	vand.u32 $0x1C0, v17;
	v17 =	vshrl.u32 v19, $0x2;
	[tilespmem:v13+s12+$0x0] =	vst.idx.add.s32.msk $0xffff, v2  }
0x2e3: {  	v13 =	vand.u32 $0x38, v17;
	v17 =	vshll.u32 v21, $0x1;
	v19 =	vld [tilespmem:s22+$0x60]  }
0x2e4: {  	v21 =	vor.u32 v13, v15;
	v13 =	vand.u32 $0x1C0, v17;
	v15 =	vshrl.u32 v24, $0x2;
	v17 =	vld [tilespmem:s22+$0x260]  }
0x2e5: {  	v24 =	vld [tilespmem:s22+$0x2000];
	v15 =	vand.u32 $0x38, v15;
	v23 =	vshll.u32 v23, $0x1  }
0x2e6: {  	v26 =	vld [tilespmem:s22+$0x2010];
	v27 =	vor.u32 v15, v13;
	v13 =	vand.u32 $0x1C0, v23;
	v15 =	vshrl.u32 v25, $0x2  }
0x2e7: {  	v23 =	vld [tilespmem:s22+$0x2020];
	v15 =	vand.u32 $0x38, v15  }
0x2e8: {  	v25 =	vld [tilespmem:s22+$0x2030];
	v13 =	vor.u32 v15, v13;
	v15 =	vshll.u32 v19, $0x1  }
0x2e9: {  	v19 =	vld [tilespmem:s22+$0x2040];
	v15 =	vand.u32 $0x1C0, v15;
	v17 =	vshrl.u32 v17, $0x2  }
0x2ea: {  	v24 =	vshra.s32 v24, $0x5;
	v28 =	vld [tilespmem:s22+$0x2050];
	v29 =	vand.u32 $0x38, v17  }
.Ltmp21:
0x2eb: {  	v24 =	vadd.s32 v14, v24;
	v26 =	vshra.s32 v26, $0x5;
	v17 =	vld [tilespmem:s22+$0x2060];
	v14 =	vor.u32 v29, v15;
	(pc) =	sbr.rel @p1 .LBB2_22-.Ltmp21, $4  }
0x2ec: {  	v15 =	vadd.s32 v0, v24;
	v16 =	vadd.s32 v16, v26;
	v23 =	vshra.s32 v23, $0x5;
	[tilespmem:v11+s12+$0x0] =	vst.idx.add.s32.msk $0xffff, v2  }
0x2ed: {  	v16 =	vadd.s32 v3, v16;
	v11 =	vadd.s32 v22, v23;
	v22 =	vshra.s32 v25, $0x5;
	[tilespmem:v12+s12+$0x0] =	vst.idx.add.s32.msk $0xffff, v2  }
0x2ee: {  	v11 =	vadd.s32 v4, v11;
	v12 =	vadd.s32 v21, v22;
	v19 =	vshra.s32 v19, $0x5;
	[tilespmem:v18+s12+$0x0] =	vst.idx.add.s32.msk $0xffff, v2  }
0x2ef: {  	s21 =	sadd.s32 $0x40, s21;
	v12 =	vadd.s32 v5, v12;
	v18 =	vadd.s32 v27, v19;
	v19 =	vshra.s32 v28, $0x5;
	[tilespmem:v20+s12+$0x0] =	vst.idx.add.s32.msk $0xffff, v2  }
0x2f0: {  	_ =	sdelay $0x3  }
0x2f1: {  	v18 =	vadd.s32 v6, v18;
	v13 =	vadd.s32 v13, v19;
	v17 =	vshra.s32 v17, $0x5;
	[tilespmem:v10+s12+$0x0] =	vst.idx.add.s32.msk $0xffff, v2  }
0x2f2: {  	[tilespmem:v15+s12+$0x0] =	vst.idx.add.s32.msk $0xffff, v2;
	v10 =	vadd.s32 v7, v13;
	v63 =	vadd.s32 v14, v17  }
0x2f3: {  	[tilespmem:v16+s12+$0x0] =	vst.idx.add.s32.msk $0xffff, v2;
	p1 =	sgt.u32 s18, $0x3C;
	v13 =	vadd.s32 v8, v63  }
.Ltmp22:
0x2f4: {  	[tilespmem:v11+s12+$0x0] =	vst.idx.add.s32.msk $0xffff, v2;
	(pc) =	sbr.rel @p1 .LBB2_33-.Ltmp22, $4  }
0x2f5: {  	[tilespmem:v12+s12+$0x0] =	vst.idx.add.s32.msk $0xffff, v2  }
0x2f6: {  	[tilespmem:v18+s12+$0x0] =	vst.idx.add.s32.msk $0xffff, v2  }
0x2f7: {  	[tilespmem:v10+s12+$0x0] =	vst.idx.add.s32.msk $0xffff, v2  }
0x2f8: {  	[tilespmem:v13+s12+$0x0] =	vst.idx.add.s32.msk $0xffff, v2  }
0x2f9: {  	s0 =	sadd.s32 $0x3, s18  }
0x2fa: {  	s2 =	sshrl.u32 s0, $0x1  }
0x2fb: {  	s2 =	sadd.s32 s4, s2  }
0x2fc: {  	s0 =	sshll.u32 s0, $0x4;
	s2 =	smul.u32 $0x60, s2  }
0x2fd: {  	s0 =	sand.u32 $0x10, s0  }
0x2fe: {  	s29 =	simm.s32 $0x0;
	s0 =	sor.u32 s2, s0  }
0x2ff: {  	s30 =	sand.u32 $0x60, s29;
	s19 =	sor.u32 s5, s0  }
0x300: {  	s20 =	sand.u32 $0xC, s29;
	s0 =	sadd.s32 s30, s19  }
0x301: {  	s0 =	sor.u32 s20, s0  }
0x302: {  	s31 =	sand.u32 $0x2000, s29;
	s2 =	sand.u32 $0x380, s29;
	s0 =	sshll.u32 s0, $0x7  }
0x303: {  	s10 =	simm.s32 $0x4;
	s20 =	sor.u32 s2, s31;
	s0 =	sand.u32 $0x1FFFFF80, s0  }
0x304: {  	s22 =	sor.u32 $0x400, s20;
	s23 =	sor.u32 $0x800, s20;
	s21 =	sadd.s32 s1, s0  }
0x305: {  	[tilespmem:s20], [sflag:$0x1] =	stream.linear.gather [hbm4b:s21+s3], $0x80, $0x38;
	[tilespmem:$0x1C000] =	vst v63  }
0x306: {  	s26 =	sor.u32 $0xC00, s20;
	s30 =	sor.u32 $0x1000, s20;
	s9 =	sadd.s32 $0x10, s21  }
0x307: {  	[tilespmem:s22], [sflag:$0x1] =	stream.linear.gather [hbm4b:s9+s3], $0x80, $0x38;
	[tilespmem:$0x1C000] =	vst v63  }
0x308: {  	s31 =	sor.u32 $0x1400, s20;
	s0 =	simm.s32 $0x8;
	s24 =	sadd.s32 $0x20, s21  }
0x309: {  	[tilespmem:s23], [sflag:$0x1] =	stream.linear.gather [hbm4b:s24+s3], $0x80, $0x38;
	[tilespmem:$0x1C000] =	vst v63  }
0x30a: {  	s2 =	sor.u32 $0x1800, s20;
	s25 =	sadd.s32 $0x30, s21;
	s0 =	sand.u32 $0x60, s0  }
0x30b: {  	[tilespmem:s26], [sflag:$0x1] =	stream.linear.gather [hbm4b:s25+s3], $0x80, $0x38;
	[tilespmem:$0x1C000] =	vst v63  }
0x30c: {  	s29 =	sadd.s32 $0x40, s21;
	s28 =	sadd.s32 $0x60, s21;
	s0 =	sadd.s32 s0, s19  }
0x30d: {  	[tilespmem:s30], [sflag:$0x1] =	stream.linear.gather [hbm4b:s29+s3], $0x80, $0x38;
	[tilespmem:$0x1C000] =	vst v63  }
0x30e: {  	s22 =	sand.u32 $0xC, s10;
	s23 =	simm.s32 $0x400;
	s24 =	sadd.s32 $0x50, s21  }
0x30f: {  	[tilespmem:s31], [sflag:$0x1] =	stream.linear.gather [hbm4b:s24+s3], $0x80, $0x38;
	[tilespmem:$0x1C000] =	vst v63  }
0x310: {  	s26 =	simm.s32 $0x10;
	s25 =	simm.s32 $0x8;
	s24 =	simm.s32 $0x80  }
.LBB2_25:
0x311: {  	[tilespmem:s2], [sflag:$0x1] =	stream.linear.gather [hbm4b:s28+s3], $0x80, $0x38;
	[tilespmem:$0x1C000] =	vst v63  }
0x312: {  	s2 =	smov.u32 s26;
	s29 =	sadd.s32 $0x8, s26  }
0x313: {  	s0 =	sor.u32 s22, s0;
	s22 =	sand.u32 $0xC, s25;
	s21 =	sadd.s32 $0x70, s21  }
0x314: {  	s20 =	sor.u32 $0x1C00, s20;
	s28 =	sand.u32 $0x2000, s23;
	s0 =	sshll.u32 s0, $0x7  }
0x315: {  	s30 =	sand.u32 $0x380, s24;
	p1 =	seq.s32 s26, $0x58;
	s0 =	sand.u32 $0x1FFFFF80, s0  }
0x316: {  	[tilespmem:s20], [sflag:$0x1] =	stream.linear.gather [hbm4b:s21+s3], $0x80, $0x38;
	[tilespmem:$0x1C000] =	vst v63  }
0x317: {  	s23 =	sadd.s32 $0x400, s23;
	s20 =	sor.u32 s30, s28;
	s21 =	sadd.s32 s1, s0  }
0x318: {  	[tilespmem:s20], [sflag:$0x1] =	stream.linear.gather [hbm4b:s21+s3], $0x80, $0x38;
	[tilespmem:$0x1C000] =	vst v63  }
0x319: {  	s24 =	sadd.s32 $0x80, s24;
	s0 =	sadd.s32 $0x10, s21;
	s26 =	sor.u32 $0x400, s20  }
0x31a: {  	[tilespmem:s26], [sflag:$0x1] =	stream.linear.gather [hbm4b:s0+s3], $0x80, $0x38;
	[tilespmem:$0x1C000] =	vst v63  }
0x31b: {  	s25 =	sadd.s32 $0x4, s25;
	s0 =	sadd.s32 $0x20, s21;
	s26 =	sor.u32 $0x800, s20  }
0x31c: {  	[tilespmem:s26], [sflag:$0x1] =	stream.linear.gather [hbm4b:s0+s3], $0x80, $0x38;
	[tilespmem:$0x1C000] =	vst v63  }
0x31d: {  	s28 =	sor.u32 $0x1400, s20;
	s0 =	sadd.s32 $0x30, s21;
	s26 =	sor.u32 $0xC00, s20  }
0x31e: {  	[tilespmem:s26], [sflag:$0x1] =	stream.linear.gather [hbm4b:s0+s3], $0x80, $0x38;
	[tilespmem:$0x1C000] =	vst v63  }
.Ltmp23:
0x31f: {  	s0 =	sadd.s32 $0x40, s21;
	s26 =	sor.u32 $0x1000, s20;
	(pc) =	sbr.rel @!p1 .LBB2_25-.Ltmp23, $4  }
0x320: {  	[tilespmem:s26], [sflag:$0x1] =	stream.linear.gather [hbm4b:s0+s3], $0x80, $0x38;
	[tilespmem:$0x1C000] =	vst v63  }
0x321: {  	s0 =	sand.u32 $0x60, s2;
	s2 =	sadd.s32 $0x50, s21;
	s26 =	smov.u32 s29  }
0x322: {  	[tilespmem:s28], [sflag:$0x1] =	stream.linear.gather [hbm4b:s2+s3], $0x80, $0x38;
	[tilespmem:$0x1C000] =	vst v63  }
0x323: {  	s0 =	sadd.s32 s0, s19;
	s28 =	sadd.s32 $0x60, s21;
	s2 =	sor.u32 $0x1800, s20  }
0x324: {  	[tilespmem:s2], [sflag:$0x1] =	stream.linear.gather [hbm4b:s28+s3], $0x80, $0x38;
	[tilespmem:$0x1C000] =	vst v63  }
0x325: {  	s0 =	sor.u32 s22, s0  }
0x326: {  	s29 =	sadd.s32 $0x70, s21;
	s19 =	sor.u32 $0x1C00, s20;
	s0 =	sshll.u32 s0, $0x7  }
0x327: {  	s30 =	sand.u32 $0x2000, s23;
	s31 =	sand.u32 $0x380, s24;
	s0 =	sand.u32 $0x1FFFFF80, s0  }
0x328: {  	[tilespmem:s19], [sflag:$0x1] =	stream.linear.gather [hbm4b:s29+s3], $0x80, $0x38;
	[tilespmem:$0x1C000] =	vst v63  }
0x329: {  	s9 =	sor.u32 s31, s30;
	s0 =	sadd.s32 s1, s0  }
0x32a: {  	[tilespmem:s9], [sflag:$0x1] =	stream.linear.gather [hbm4b:s0+s3], $0x80, $0x38;
	[tilespmem:$0x1C000] =	vst v63  }
0x32b: {  	s20 =	sor.u32 $0x400, s9;
	s10 =	sadd.s32 $0x10, s0  }
0x32c: {  	[tilespmem:s20], [sflag:$0x1] =	stream.linear.gather [hbm4b:s10+s3], $0x80, $0x38;
	[tilespmem:$0x1C000] =	vst v63  }
0x32d: {  	s22 =	sor.u32 $0x800, s9;
	s21 =	sadd.s32 $0x20, s0  }
0x32e: {  	[tilespmem:s22], [sflag:$0x1] =	stream.linear.gather [hbm4b:s21+s3], $0x80, $0x38;
	[tilespmem:$0x1C000] =	vst v63  }
0x32f: {  	s24 =	sor.u32 $0xC00, s9;
	s23 =	sadd.s32 $0x30, s0  }
0x330: {  	[tilespmem:s24], [sflag:$0x1] =	stream.linear.gather [hbm4b:s23+s3], $0x80, $0x38;
	[tilespmem:$0x1C000] =	vst v63  }
0x331: {  	s26 =	sor.u32 $0x1000, s9;
	s25 =	sadd.s32 $0x40, s0  }
0x332: {  	[tilespmem:s26], [sflag:$0x1] =	stream.linear.gather [hbm4b:s25+s3], $0x80, $0x38;
	[tilespmem:$0x1C000] =	vst v63  }
0x333: {  	s28 =	sor.u32 $0x1400, s9;
	s29 =	sadd.s32 $0x50, s0  }
0x334: {  	[tilespmem:s28], [sflag:$0x1] =	stream.linear.gather [hbm4b:s29+s3], $0x80, $0x38;
	[tilespmem:$0x1C000] =	vst v63  }
.Ltmp24:
0x335: {  	_ = 	snop;
	(pc) =	sbr.rel .LBB2_33-.Ltmp24, $4  }
0x336: {  	s31 =	sor.u32 $0x1800, s9;
	s30 =	sadd.s32 $0x60, s0  }
0x337: {  	[tilespmem:s31], [sflag:$0x1] =	stream.linear.gather [hbm4b:s30+s3], $0x80, $0x38;
	[tilespmem:$0x1C000] =	vst v63  }
0x338: {  	s2 =	sor.u32 $0x1C00, s9;
	s0 =	sadd.s32 $0x70, s0  }
0x339: {  	[tilespmem:s2], [sflag:$0x1] =	stream.linear.gather [hbm4b:s0+s3], $0x80, $0x38;
	[tilespmem:$0x1C000] =	vst v63  }
.LBB2_8:
.Ltmp25:
0x33a: {  	(pc) =	sbr.rel .LBB2_11-.Ltmp25, $2  }
0x33b: {  	_ =	sdelay $0x2  }
0x33c: {  	s20 =	simm.s32 $0x0;
	s21 =	simm.s32 $0x0  }
.LBB2_35:
0x33d: {  	_ =	sfence.sel $0x180000  }
0x33e: {  	[bflag:$0x0] =	sbarrier.arrive $0xFFFF  }
0x33f: {  	_ =	strace $0x90000047  }
0x340: {  	s0 =	stileid.u32;
	[bflag:$0x2] =	sbarrier.arrive $0xFFFF  }
0x341: {  	p0 =	sne.s32 s0, $0x0;
	s0 =	rddreg [dreg:$0x2]  }
0x342: {  	s0 =	sadd.s32 @!p0 $0x100000, s0  }
0x343: {  	[sflag:s0] =	ssyncadd.tile.s32 @!p0 $0x1;
	_ =	shalt  }
.Lfunc_end2:
_tile_overlayer_lowered:
.L_overlay_start_2:
0x344: {  	(tag) =	ssettag $0x2  }
0x345: {  	s0 =	rddreg [dreg:$0x0];
	s2 =	stileid.u32  }
0x346: {  	s1 =	rddreg [dreg:$0x1];
	p0 =	sne.s32 s2, $0x0  }
0x347: {  	s3 =	rddreg [dreg:$0x2];
	[bflag:$0x3] =	sbarrier.arrive $0xFFFF;
	s2 =	simm.s32 @!p0 $0x1C04  }
0x348: {  	[timem:s3], [sflag:s2] =	dma.local @!p0 [hbm:s0], s1  }
0x349: {  	s0 =	simm.s32 @!p0 $0x4  }
0x34a: {  	_ =	swait.ge @!p0 [sflag:s0], s1  }
0x34b: {  	s1 =	ssub.s32 @!p0 $0x0, s1;
	[sflag:s0] =	ssyncset.done @!p0 $0x0  }
0x34c: {  	[sflag:s0] =	ssyncadd.s32 @!p0 s1  }
0x34d: {  	[bflag:$0x3] =	sbarrier.arrive $0xFFFF  }
0x34e: {  	_ =	shalt  }

</sc_bundles>
